<compile_context>
chip_gen: v7x
topology: tpu7x:2x2x1
jax: 0.10.2.dev20260603
libtpu: 0.0.44.dev20260713+nightly
codegen_flags: <defaults>
</compile_context>

<pallas_src>
import functools

import jax
import jax.numpy as jnp
from jax import lax
from jax.experimental import pallas as pl
from jax.experimental.pallas import tpu as pltpu
from jax.experimental.pallas import tpu_sc as plsc

EMBED = 128
BATCH = 4096
SEQ = 50
NC, NS = 2, 16
NW = NC * NS
BPW = BATCH // NW
CPW = SEQ
NBUF = 5
LOOKAHEAD = 4


def _emb_body(x_hbm, table_hbm, out_hbm, idx_v, rows_v, gsem, wsem):
    wid = lax.axis_index("s") * NC + lax.axis_index("c")
    batch0 = wid * BPW
    pltpu.sync_copy(x_hbm.at[wid], idx_v)

    def g_start(j, b):
        pltpu.async_copy(table_hbm.at[idx_v.at[j]], rows_v.at[b], gsem)

    def g_wait(b):
        pltpu.make_async_copy(table_hbm.at[idx_v.at[0]], rows_v.at[b], gsem).wait()

    def w_start(j, b):
        pltpu.async_copy(
            rows_v.at[b], out_hbm.at[j].at[pl.ds(batch0, BPW)], wsem)

    def w_wait(b):
        pltpu.make_async_copy(
            rows_v.at[b], out_hbm.at[0].at[pl.ds(batch0, BPW)], wsem).wait()

    for i in range(LOOKAHEAD):
        g_start(i, i)

    def group(g, carry):
        for b in range(NBUF):
            j = g * NBUF + b
            jf = j + LOOKAHEAD
            bf = (b + LOOKAHEAD) % NBUF

            @pl.when(jnp.logical_and(jf >= NBUF, jf < CPW))
            def _():
                w_wait(bf)

            @pl.when(jf < CPW)
            def _():
                g_start(jf, bf)

            g_wait(b)
            w_start(j, b)
        return carry

    lax.fori_loop(0, CPW // NBUF, group, 0)
    for b in range(NBUF):
        w_wait(b)


@jax.jit
def _emb(xw, table):
    kern = functools.partial(
        pl.kernel,
        mesh=plsc.VectorSubcoreMesh(core_axis_name="c", subcore_axis_name="s"),
        out_type=jax.ShapeDtypeStruct((SEQ, BATCH, EMBED), jnp.float32),
        scratch_types=[
            pltpu.VMEM((SEQ, BPW), jnp.int32),
            pltpu.VMEM((NBUF, BPW, EMBED), jnp.float32),
            pltpu.SemaphoreType.DMA,
            pltpu.SemaphoreType.DMA,
        ],
    )(_emb_body)
    out_sbe = kern(xw, table)
    return out_sbe.transpose(1, 0, 2)


def kernel(x, table):
    xw = x.astype(jnp.int32).reshape(NW, BPW, SEQ).transpose(0, 2, 1)
    return _emb(xw, table)

# --- scband reference (transcript-rebuilt; emitter-appended) ---
"""Pipeline reference for scband-word-embedding-69140383531091 (READ-ONLY COPY).

The authoritative reference and input builder live on the scoring server;
editing this copy changes nothing except your own understanding.
"""

import jax, jax.numpy as jnp
import numpy as np

VOCAB = 100000
EMBED = 128

def setup_inputs(seed: int = 0) -> dict:
    key = jax.random.key(seed)
    k1, k2 = jax.random.split(key)
    x = jax.random.randint(k1, (4096, 50), 0, VOCAB, dtype=jnp.int64) if jax.config.jax_enable_x64 else jax.random.randint(k1, (4096, 50), 0, VOCAB, dtype=jnp.int32)
    table = jax.random.normal(k2, (VOCAB, EMBED), dtype=jnp.float32)
    # padding_idx=0: row 0 is zeros, as in nn.Embedding(padding_idx=0)
    table = table.at[0].set(0.0)
    return {"x": x, "table": table}

def reference(x, table):
    # nn.Embedding(vocab_size, embed_size, padding_idx=0) forward: table[x]
    emb = table.at[0].set(0.0)  # enforce padding row = 0 (faithful to padding_idx)
    return jnp.take(emb, x, axis=0)

if __name__ == "__main__":
    import jax
    _d = setup_inputs()
    print(jax.jit(kernel)(*tuple(_d.values())))

</pallas_src>

<mosaic_0001>
#map = affine_map<(d0, d1) -> (0, 0, 0)>
#map1 = affine_map<(d0, d1) -> (0, 0)>
module attributes {stable_mosaic.version = 14 : i64} {
  func.func @_emb_body(%arg0: i32, %arg1: i32, %arg2: memref<32x50x128xi32, #tpu.memory_space<hbm>>, %arg3: memref<100000x128xf32, #tpu.memory_space<hbm>>, %arg4: memref<50x4096x128xf32, #tpu.memory_space<hbm>>, %arg5: memref<50x128xi32, #tpu.memory_space<vmem>>, %arg6: memref<5x128x128xf32, #tpu.memory_space<vmem>>, %arg7: memref<!tpu.dma_semaphore, #tpu.memory_space<semaphore_mem>>, %arg8: memref<!tpu.dma_semaphore, #tpu.memory_space<semaphore_mem>>) attributes {dimension_semantics = [#tpu.dimension_semantics<core_parallel>, #tpu.dimension_semantics<subcore_parallel>], iteration_bounds = array<i64: 2, 16>, scalar_prefetch = 0 : i64, scratch_operands = 4 : i64, tpu.core_type = #tpu.core_type<sc_vector_subcore>, window_params = [{transform_indices = #map}, {transform_indices = #map1}, {transform_indices = #map}]} {
    %mul3A = arith.constant 2 : i32
    %mul3A_0 = arith.muli %arg1, %mul3A : i32
    %add3A = arith.addi %mul3A_0, %arg0 : i32
    %mul3A_1 = arith.constant 128 : i32
    %mul3A_2 = arith.muli %add3A, %mul3A_1 : i32
    "tpu.region"() ({
      %run_scoped3A = tpu.sem_alloc : memref<!tpu.dma_semaphore, #tpu.memory_space<semaphore_mem>>
      %dma_start3A_164 = arith.constant 0 : i32
      %dma_start3A_165 = arith.constant 0 : i32
      %dma_start3A_166 = tpu.memref_slice %arg2[%add3A, %dma_start3A_164, %dma_start3A_165] : memref<32x50x128xi32, #tpu.memory_space<hbm>> -> memref<1x50x128xi32, #tpu.memory_space<hbm>>
      %dma_start3A_167 = tpu.memref_squeeze %dma_start3A_166 : memref<1x50x128xi32, #tpu.memory_space<hbm>> -> memref<50x128xi32, #tpu.memory_space<hbm>>
      %dma_start3A_168 = arith.constant 0 : i32
      %dma_start3A_169 = arith.constant 0 : i32
      %dma_start3A_170 = tpu.memref_slice %arg2[%add3A, %dma_start3A_168, %dma_start3A_169] : memref<32x50x128xi32, #tpu.memory_space<hbm>> -> memref<1x50x128xi32, #tpu.memory_space<hbm>>
      %dma_start3A_171 = tpu.memref_squeeze %dma_start3A_170 : memref<1x50x128xi32, #tpu.memory_space<hbm>> -> memref<50x128xi32, #tpu.memory_space<hbm>>
      tpu.enqueue_dma source(%dma_start3A_171 : memref<50x128xi32, #tpu.memory_space<hbm>>) target(%arg5 : memref<50x128xi32, #tpu.memory_space<vmem>>) target_semaphore(%run_scoped3A : memref<!tpu.dma_semaphore, #tpu.memory_space<semaphore_mem>>)
      %dma_wait3A_172 = arith.constant 0 : i32
      %dma_wait3A_173 = arith.constant 0 : i32
      %dma_wait3A_174 = tpu.memref_slice %arg2[%add3A, %dma_wait3A_172, %dma_wait3A_173] : memref<32x50x128xi32, #tpu.memory_space<hbm>> -> memref<1x50x128xi32, #tpu.memory_space<hbm>>
      %dma_wait3A_175 = tpu.memref_squeeze %dma_wait3A_174 : memref<1x50x128xi32, #tpu.memory_space<hbm>> -> memref<50x128xi32, #tpu.memory_space<hbm>>
      %dma_wait3A_176 = arith.constant 0 : i32
      %dma_wait3A_177 = arith.constant 0 : i32
      %dma_wait3A_178 = tpu.memref_slice %arg2[%add3A, %dma_wait3A_176, %dma_wait3A_177] : memref<32x50x128xi32, #tpu.memory_space<hbm>> -> memref<1x50x128xi32, #tpu.memory_space<hbm>>
      %dma_wait3A_179 = tpu.memref_squeeze %dma_wait3A_178 : memref<1x50x128xi32, #tpu.memory_space<hbm>> -> memref<50x128xi32, #tpu.memory_space<hbm>>
      tpu.wait_dma2 semaphore(%run_scoped3A : memref<!tpu.dma_semaphore, #tpu.memory_space<semaphore_mem>>) src(%dma_wait3A_179 : memref<50x128xi32, #tpu.memory_space<hbm>>) dst(%arg5 : memref<50x128xi32, #tpu.memory_space<vmem>>)
      tpu.yield
    }) : () -> ()
    %dma_start3A = arith.constant 0 : i32
    %dma_start3A_3 = arith.constant 0 : i32
    %dma_start3A_4 = arith.constant 0 : i32
    %dma_start3A_5 = arith.constant 0 : i32
    %dma_start3A_6 = tpu.memref_slice %arg6[%dma_start3A_3, %dma_start3A_4, %dma_start3A_5] : memref<5x128x128xf32, #tpu.memory_space<vmem>> -> memref<1x128x128xf32, #tpu.memory_space<vmem>>
    %dma_start3A_7 = tpu.memref_squeeze %dma_start3A_6 : memref<1x128x128xf32, #tpu.memory_space<vmem>> -> memref<128x128xf32, #tpu.memory_space<vmem>>
    %dma_start3A_8 = arith.constant 0 : i32
    %dma_start3A_9 = tpu.memref_slice %arg5[%dma_start3A, %dma_start3A_8] : memref<50x128xi32, #tpu.memory_space<vmem>> -> memref<1x128xi32, #tpu.memory_space<vmem>>
    %dma_start3A_10 = tpu.memref_squeeze %dma_start3A_9 : memref<1x128xi32, #tpu.memory_space<vmem>> -> memref<128xi32, #tpu.memory_space<vmem>>
    %dma_start3A_11 = arith.constant 0 : i32
    %dma_start3A_12 = arith.constant 0 : i32
    %dma_start3A_13 = tpu.memref_slice %arg3[%dma_start3A_11, %dma_start3A_12] : memref<100000x128xf32, #tpu.memory_space<hbm>> -> memref<100000x128xf32, #tpu.memory_space<hbm>>
    tpu.enqueue_indirect_dma source(%dma_start3A_13 : memref<100000x128xf32, #tpu.memory_space<hbm>>) target(%dma_start3A_7 : memref<128x128xf32, #tpu.memory_space<vmem>>) offsets(%dma_start3A_10 : memref<128xi32, #tpu.memory_space<vmem>>) semaphore(%arg7 : memref<!tpu.dma_semaphore, #tpu.memory_space<semaphore_mem>>)
    %dma_start3A_14 = arith.constant 1 : i32
    %dma_start3A_15 = arith.constant 1 : i32
    %dma_start3A_16 = arith.constant 0 : i32
    %dma_start3A_17 = arith.constant 0 : i32
    %dma_start3A_18 = tpu.memref_slice %arg6[%dma_start3A_15, %dma_start3A_16, %dma_start3A_17] : memref<5x128x128xf32, #tpu.memory_space<vmem>> -> memref<1x128x128xf32, #tpu.memory_space<vmem>>
    %dma_start3A_19 = tpu.memref_squeeze %dma_start3A_18 : memref<1x128x128xf32, #tpu.memory_space<vmem>> -> memref<128x128xf32, #tpu.memory_space<vmem>>
    %dma_start3A_20 = arith.constant 0 : i32
    %dma_start3A_21 = tpu.memref_slice %arg5[%dma_start3A_14, %dma_start3A_20] : memref<50x128xi32, #tpu.memory_space<vmem>> -> memref<1x128xi32, #tpu.memory_space<vmem>>
    %dma_start3A_22 = tpu.memref_squeeze %dma_start3A_21 : memref<1x128xi32, #tpu.memory_space<vmem>> -> memref<128xi32, #tpu.memory_space<vmem>>
    %dma_start3A_23 = arith.constant 0 : i32
    %dma_start3A_24 = arith.constant 0 : i32
    %dma_start3A_25 = tpu.memref_slice %arg3[%dma_start3A_23, %dma_start3A_24] : memref<100000x128xf32, #tpu.memory_space<hbm>> -> memref<100000x128xf32, #tpu.memory_space<hbm>>
    tpu.enqueue_indirect_dma source(%dma_start3A_25 : memref<100000x128xf32, #tpu.memory_space<hbm>>) target(%dma_start3A_19 : memref<128x128xf32, #tpu.memory_space<vmem>>) offsets(%dma_start3A_22 : memref<128xi32, #tpu.memory_space<vmem>>) semaphore(%arg7 : memref<!tpu.dma_semaphore, #tpu.memory_space<semaphore_mem>>)
    %dma_start3A_26 = arith.constant 2 : i32
    %dma_start3A_27 = arith.constant 2 : i32
    %dma_start3A_28 = arith.constant 0 : i32
    %dma_start3A_29 = arith.constant 0 : i32
    %dma_start3A_30 = tpu.memref_slice %arg6[%dma_start3A_27, %dma_start3A_28, %dma_start3A_29] : memref<5x128x128xf32, #tpu.memory_space<vmem>> -> memref<1x128x128xf32, #tpu.memory_space<vmem>>
    %dma_start3A_31 = tpu.memref_squeeze %dma_start3A_30 : memref<1x128x128xf32, #tpu.memory_space<vmem>> -> memref<128x128xf32, #tpu.memory_space<vmem>>
    %dma_start3A_32 = arith.constant 0 : i32
    %dma_start3A_33 = tpu.memref_slice %arg5[%dma_start3A_26, %dma_start3A_32] : memref<50x128xi32, #tpu.memory_space<vmem>> -> memref<1x128xi32, #tpu.memory_space<vmem>>
    %dma_start3A_34 = tpu.memref_squeeze %dma_start3A_33 : memref<1x128xi32, #tpu.memory_space<vmem>> -> memref<128xi32, #tpu.memory_space<vmem>>
    %dma_start3A_35 = arith.constant 0 : i32
    %dma_start3A_36 = arith.constant 0 : i32
    %dma_start3A_37 = tpu.memref_slice %arg3[%dma_start3A_35, %dma_start3A_36] : memref<100000x128xf32, #tpu.memory_space<hbm>> -> memref<100000x128xf32, #tpu.memory_space<hbm>>
    tpu.enqueue_indirect_dma source(%dma_start3A_37 : memref<100000x128xf32, #tpu.memory_space<hbm>>) target(%dma_start3A_31 : memref<128x128xf32, #tpu.memory_space<vmem>>) offsets(%dma_start3A_34 : memref<128xi32, #tpu.memory_space<vmem>>) semaphore(%arg7 : memref<!tpu.dma_semaphore, #tpu.memory_space<semaphore_mem>>)
    %dma_start3A_38 = arith.constant 3 : i32
    %dma_start3A_39 = arith.constant 3 : i32
    %dma_start3A_40 = arith.constant 0 : i32
    %dma_start3A_41 = arith.constant 0 : i32
    %dma_start3A_42 = tpu.memref_slice %arg6[%dma_start3A_39, %dma_start3A_40, %dma_start3A_41] : memref<5x128x128xf32, #tpu.memory_space<vmem>> -> memref<1x128x128xf32, #tpu.memory_space<vmem>>
    %dma_start3A_43 = tpu.memref_squeeze %dma_start3A_42 : memref<1x128x128xf32, #tpu.memory_space<vmem>> -> memref<128x128xf32, #tpu.memory_space<vmem>>
    %dma_start3A_44 = arith.constant 0 : i32
    %dma_start3A_45 = tpu.memref_slice %arg5[%dma_start3A_38, %dma_start3A_44] : memref<50x128xi32, #tpu.memory_space<vmem>> -> memref<1x128xi32, #tpu.memory_space<vmem>>
    %dma_start3A_46 = tpu.memref_squeeze %dma_start3A_45 : memref<1x128xi32, #tpu.memory_space<vmem>> -> memref<128xi32, #tpu.memory_space<vmem>>
    %dma_start3A_47 = arith.constant 0 : i32
    %dma_start3A_48 = arith.constant 0 : i32
    %dma_start3A_49 = tpu.memref_slice %arg3[%dma_start3A_47, %dma_start3A_48] : memref<100000x128xf32, #tpu.memory_space<hbm>> -> memref<100000x128xf32, #tpu.memory_space<hbm>>
    tpu.enqueue_indirect_dma source(%dma_start3A_49 : memref<100000x128xf32, #tpu.memory_space<hbm>>) target(%dma_start3A_43 : memref<128x128xf32, #tpu.memory_space<vmem>>) offsets(%dma_start3A_46 : memref<128xi32, #tpu.memory_space<vmem>>) semaphore(%arg7 : memref<!tpu.dma_semaphore, #tpu.memory_space<semaphore_mem>>)
    %scan3A = arith.constant 0 : i32
    %scan3A_50 = arith.constant 0 : i32
    %scan3A_51 = arith.constant 10 : i32
    %scan3A_52 = arith.addi %scan3A_50, %scan3A_51 : i32
    %scan3A_53 = arith.constant 1 : i32
    scf.for %scan3A_164 = %scan3A_50 to %scan3A_52 step %scan3A_53  : i32 {
      %mul3A_165 = arith.constant 5 : i32
      %mul3A_166 = arith.muli %scan3A_164, %mul3A_165 : i32
      %add3A_167 = arith.constant 0 : i32
      %add3A_168 = arith.addi %mul3A_166, %add3A_167 : i32
      %add3A_169 = arith.constant 4 : i32
      %add3A_170 = arith.addi %add3A_168, %add3A_169 : i32
      %ge3A = arith.constant 5 : i32
      %ge3A_171 = arith.cmpi sge, %add3A_170, %ge3A : i32
      %lt3A = arith.constant 50 : i32
      %lt3A_172 = arith.cmpi slt, %add3A_170, %lt3A : i32
      %and3A = arith.andi %ge3A_171, %lt3A_172 : i1
      %convert_element_type3A = arith.extui %and3A : i1 to i32
      %cond3A = arith.constant 0 : i32
      %cond3A_173 = arith.cmpi ne, %convert_element_type3A, %cond3A : i32
      scf.if %cond3A_173 {
        %dma_wait3A_420 = arith.constant 4 : i32
        %dma_wait3A_421 = arith.constant 0 : i32
        %dma_wait3A_422 = arith.constant 0 : i32
        %dma_wait3A_423 = arith.constant 0 : i32
        %dma_wait3A_424 = tpu.memref_slice %arg6[%dma_wait3A_420, %dma_wait3A_422, %dma_wait3A_423] : memref<5x128x128xf32, #tpu.memory_space<vmem>> -> memref<1x128x128xf32, #tpu.memory_space<vmem>>
        %dma_wait3A_425 = tpu.memref_squeeze %dma_wait3A_424 : memref<1x128x128xf32, #tpu.memory_space<vmem>> -> memref<128x128xf32, #tpu.memory_space<vmem>>
        %dma_wait3A_426 = arith.constant 0 : i32
        %dma_wait3A_427 = arith.constant 0 : i32
        %dma_wait3A_428 = tpu.memref_slice %arg4[%dma_wait3A_421, %dma_wait3A_426, %dma_wait3A_427] : memref<50x4096x128xf32, #tpu.memory_space<hbm>> -> memref<1x4096x128xf32, #tpu.memory_space<hbm>>
        %dma_wait3A_429 = tpu.memref_squeeze %dma_wait3A_428 : memref<1x4096x128xf32, #tpu.memory_space<hbm>> -> memref<4096x128xf32, #tpu.memory_space<hbm>>
        %dma_wait3A_430 = arith.constant 0 : i32
        %dma_wait3A_431 = tpu.memref_slice %dma_wait3A_429[%mul3A_2, %dma_wait3A_430] : memref<4096x128xf32, #tpu.memory_space<hbm>> -> memref<128x128xf32, #tpu.memory_space<hbm>>
        %dma_wait3A_432 = arith.constant 0 : i32
        %dma_wait3A_433 = arith.constant 0 : i32
        %dma_wait3A_434 = tpu.memref_slice %arg4[%dma_wait3A_421, %dma_wait3A_432, %dma_wait3A_433] : memref<50x4096x128xf32, #tpu.memory_space<hbm>> -> memref<1x4096x128xf32, #tpu.memory_space<hbm>>
        %dma_wait3A_435 = tpu.memref_squeeze %dma_wait3A_434 : memref<1x4096x128xf32, #tpu.memory_space<hbm>> -> memref<4096x128xf32, #tpu.memory_space<hbm>>
        %dma_wait3A_436 = arith.constant 0 : i32
        %dma_wait3A_437 = tpu.memref_slice %dma_wait3A_435[%mul3A_2, %dma_wait3A_436] : memref<4096x128xf32, #tpu.memory_space<hbm>> -> memref<128x128xf32, #tpu.memory_space<hbm>>
        %dma_wait3A_438 = arith.constant 0 : i32
        %dma_wait3A_439 = arith.constant 0 : i32
        %dma_wait3A_440 = tpu.memref_slice %arg6[%dma_wait3A_420, %dma_wait3A_438, %dma_wait3A_439] : memref<5x128x128xf32, #tpu.memory_space<vmem>> -> memref<1x128x128xf32, #tpu.memory_space<vmem>>
        %dma_wait3A_441 = tpu.memref_squeeze %dma_wait3A_440 : memref<1x128x128xf32, #tpu.memory_space<vmem>> -> memref<128x128xf32, #tpu.memory_space<vmem>>
        tpu.wait_dma2 semaphore(%arg8 : memref<!tpu.dma_semaphore, #tpu.memory_space<semaphore_mem>>) src(%dma_wait3A_441 : memref<128x128xf32, #tpu.memory_space<vmem>>) dst(%dma_wait3A_437 : memref<128x128xf32, #tpu.memory_space<hbm>>)
      } else {
      }
      %lt3A_174 = arith.constant 50 : i32
      %lt3A_175 = arith.cmpi slt, %add3A_170, %lt3A_174 : i32
      %convert_element_type3A_176 = arith.extui %lt3A_175 : i1 to i32
      %cond3A_177 = arith.constant 0 : i32
      %cond3A_178 = arith.cmpi ne, %convert_element_type3A_176, %cond3A_177 : i32
      scf.if %cond3A_178 {
        %dma_start3A_420 = arith.constant 4 : i32
        %dma_start3A_421 = arith.constant 0 : i32
        %dma_start3A_422 = arith.constant 0 : i32
        %dma_start3A_423 = tpu.memref_slice %arg6[%dma_start3A_420, %dma_start3A_421, %dma_start3A_422] : memref<5x128x128xf32, #tpu.memory_space<vmem>> -> memref<1x128x128xf32, #tpu.memory_space<vmem>>
        %dma_start3A_424 = tpu.memref_squeeze %dma_start3A_423 : memref<1x128x128xf32, #tpu.memory_space<vmem>> -> memref<128x128xf32, #tpu.memory_space<vmem>>
        %dma_start3A_425 = arith.constant 0 : i32
        %dma_start3A_426 = tpu.memref_slice %arg5[%add3A_170, %dma_start3A_425] : memref<50x128xi32, #tpu.memory_space<vmem>> -> memref<1x128xi32, #tpu.memory_space<vmem>>
        %dma_start3A_427 = tpu.memref_squeeze %dma_start3A_426 : memref<1x128xi32, #tpu.memory_space<vmem>> -> memref<128xi32, #tpu.memory_space<vmem>>
        %dma_start3A_428 = arith.constant 0 : i32
        %dma_start3A_429 = arith.constant 0 : i32
        %dma_start3A_430 = tpu.memref_slice %arg3[%dma_start3A_428, %dma_start3A_429] : memref<100000x128xf32, #tpu.memory_space<hbm>> -> memref<100000x128xf32, #tpu.memory_space<hbm>>
        tpu.enqueue_indirect_dma source(%dma_start3A_430 : memref<100000x128xf32, #tpu.memory_space<hbm>>) target(%dma_start3A_424 : memref<128x128xf32, #tpu.memory_space<vmem>>) offsets(%dma_start3A_427 : memref<128xi32, #tpu.memory_space<vmem>>) semaphore(%arg7 : memref<!tpu.dma_semaphore, #tpu.memory_space<semaphore_mem>>)
      } else {
      }
      %dma_wait3A_179 = arith.constant 0 : i32
      %dma_wait3A_180 = arith.constant 0 : i32
      %dma_wait3A_181 = arith.constant 0 : i32
      %dma_wait3A_182 = arith.constant 0 : i32
      %dma_wait3A_183 = tpu.memref_slice %arg6[%dma_wait3A_180, %dma_wait3A_181, %dma_wait3A_182] : memref<5x128x128xf32, #tpu.memory_space<vmem>> -> memref<1x128x128xf32, #tpu.memory_space<vmem>>
      %dma_wait3A_184 = tpu.memref_squeeze %dma_wait3A_183 : memref<1x128x128xf32, #tpu.memory_space<vmem>> -> memref<128x128xf32, #tpu.memory_space<vmem>>
      %dma_wait3A_185 = arith.constant 0 : i32
      %dma_wait3A_186 = tpu.memref_slice %arg5[%dma_wait3A_179, %dma_wait3A_185] : memref<50x128xi32, #tpu.memory_space<vmem>> -> memref<1x128xi32, #tpu.memory_space<vmem>>
      %dma_wait3A_187 = tpu.memref_squeeze %dma_wait3A_186 : memref<1x128xi32, #tpu.memory_space<vmem>> -> memref<128xi32, #tpu.memory_space<vmem>>
      %dma_wait3A_188 = arith.constant 0 : i32
      %dma_wait3A_189 = arith.constant 0 : i32
      %dma_wait3A_190 = tpu.memref_slice %arg3[%dma_wait3A_188, %dma_wait3A_189] : memref<100000x128xf32, #tpu.memory_space<hbm>> -> memref<100000x128xf32, #tpu.memory_space<hbm>>
      tpu.wait_indirect_dma semaphore(%arg7 : memref<!tpu.dma_semaphore, #tpu.memory_space<semaphore_mem>>) src(%dma_wait3A_190 : memref<100000x128xf32, #tpu.memory_space<hbm>>) dst(%dma_wait3A_184 : memref<128x128xf32, #tpu.memory_space<vmem>>)
      %dma_start3A_191 = arith.constant 0 : i32
      %dma_start3A_192 = arith.constant 0 : i32
      %dma_start3A_193 = arith.constant 0 : i32
      %dma_start3A_194 = tpu.memref_slice %arg6[%dma_start3A_191, %dma_start3A_192, %dma_start3A_193] : memref<5x128x128xf32, #tpu.memory_space<vmem>> -> memref<1x128x128xf32, #tpu.memory_space<vmem>>
      %dma_start3A_195 = tpu.memref_squeeze %dma_start3A_194 : memref<1x128x128xf32, #tpu.memory_space<vmem>> -> memref<128x128xf32, #tpu.memory_space<vmem>>
      %dma_start3A_196 = arith.constant 0 : i32
      %dma_start3A_197 = arith.constant 0 : i32
      %dma_start3A_198 = tpu.memref_slice %arg4[%add3A_168, %dma_start3A_196, %dma_start3A_197] : memref<50x4096x128xf32, #tpu.memory_space<hbm>> -> memref<1x4096x128xf32, #tpu.memory_space<hbm>>
      %dma_start3A_199 = tpu.memref_squeeze %dma_start3A_198 : memref<1x4096x128xf32, #tpu.memory_space<hbm>> -> memref<4096x128xf32, #tpu.memory_space<hbm>>
      %dma_start3A_200 = arith.constant 0 : i32
      %dma_start3A_201 = tpu.memref_slice %dma_start3A_199[%mul3A_2, %dma_start3A_200] : memref<4096x128xf32, #tpu.memory_space<hbm>> -> memref<128x128xf32, #tpu.memory_space<hbm>>
      %dma_start3A_202 = arith.constant 0 : i32
      %dma_start3A_203 = arith.constant 0 : i32
      %dma_start3A_204 = tpu.memref_slice %arg4[%add3A_168, %dma_start3A_202, %dma_start3A_203] : memref<50x4096x128xf32, #tpu.memory_space<hbm>> -> memref<1x4096x128xf32, #tpu.memory_space<hbm>>
      %dma_start3A_205 = tpu.memref_squeeze %dma_start3A_204 : memref<1x4096x128xf32, #tpu.memory_space<hbm>> -> memref<4096x128xf32, #tpu.memory_space<hbm>>
      %dma_start3A_206 = arith.constant 0 : i32
      %dma_start3A_207 = tpu.memref_slice %dma_start3A_205[%mul3A_2, %dma_start3A_206] : memref<4096x128xf32, #tpu.memory_space<hbm>> -> memref<128x128xf32, #tpu.memory_space<hbm>>
      %dma_start3A_208 = arith.constant 0 : i32
      %dma_start3A_209 = arith.constant 0 : i32
      %dma_start3A_210 = tpu.memref_slice %arg6[%dma_start3A_191, %dma_start3A_208, %dma_start3A_209] : memref<5x128x128xf32, #tpu.memory_space<vmem>> -> memref<1x128x128xf32, #tpu.memory_space<vmem>>
      %dma_start3A_211 = tpu.memref_squeeze %dma_start3A_210 : memref<1x128x128xf32, #tpu.memory_space<vmem>> -> memref<128x128xf32, #tpu.memory_space<vmem>>
      tpu.enqueue_dma source(%dma_start3A_211 : memref<128x128xf32, #tpu.memory_space<vmem>>) target(%dma_start3A_207 : memref<128x128xf32, #tpu.memory_space<hbm>>) target_semaphore(%arg8 : memref<!tpu.dma_semaphore, #tpu.memory_space<semaphore_mem>>)
      %mul3A_212 = arith.constant 5 : i32
      %mul3A_213 = arith.muli %scan3A_164, %mul3A_212 : i32
      %add3A_214 = arith.constant 1 : i32
      %add3A_215 = arith.addi %mul3A_213, %add3A_214 : i32
      %add3A_216 = arith.constant 4 : i32
      %add3A_217 = arith.addi %add3A_215, %add3A_216 : i32
      %ge3A_218 = arith.constant 5 : i32
      %ge3A_219 = arith.cmpi sge, %add3A_217, %ge3A_218 : i32
      %lt3A_220 = arith.constant 50 : i32
      %lt3A_221 = arith.cmpi slt, %add3A_217, %lt3A_220 : i32
      %and3A_222 = arith.andi %ge3A_219, %lt3A_221 : i1
      %convert_element_type3A_223 = arith.extui %and3A_222 : i1 to i32
      %cond3A_224 = arith.constant 0 : i32
      %cond3A_225 = arith.cmpi ne, %convert_element_type3A_223, %cond3A_224 : i32
      scf.if %cond3A_225 {
        %dma_wait3A_420 = arith.constant 0 : i32
        %dma_wait3A_421 = arith.constant 0 : i32
        %dma_wait3A_422 = arith.constant 0 : i32
        %dma_wait3A_423 = arith.constant 0 : i32
        %dma_wait3A_424 = tpu.memref_slice %arg6[%dma_wait3A_420, %dma_wait3A_422, %dma_wait3A_423] : memref<5x128x128xf32, #tpu.memory_space<vmem>> -> memref<1x128x128xf32, #tpu.memory_space<vmem>>
        %dma_wait3A_425 = tpu.memref_squeeze %dma_wait3A_424 : memref<1x128x128xf32, #tpu.memory_space<vmem>> -> memref<128x128xf32, #tpu.memory_space<vmem>>
        %dma_wait3A_426 = arith.constant 0 : i32
        %dma_wait3A_427 = arith.constant 0 : i32
        %dma_wait3A_428 = tpu.memref_slice %arg4[%dma_wait3A_421, %dma_wait3A_426, %dma_wait3A_427] : memref<50x4096x128xf32, #tpu.memory_space<hbm>> -> memref<1x4096x128xf32, #tpu.memory_space<hbm>>
        %dma_wait3A_429 = tpu.memref_squeeze %dma_wait3A_428 : memref<1x4096x128xf32, #tpu.memory_space<hbm>> -> memref<4096x128xf32, #tpu.memory_space<hbm>>
        %dma_wait3A_430 = arith.constant 0 : i32
        %dma_wait3A_431 = tpu.memref_slice %dma_wait3A_429[%mul3A_2, %dma_wait3A_430] : memref<4096x128xf32, #tpu.memory_space<hbm>> -> memref<128x128xf32, #tpu.memory_space<hbm>>
        %dma_wait3A_432 = arith.constant 0 : i32
        %dma_wait3A_433 = arith.constant 0 : i32
        %dma_wait3A_434 = tpu.memref_slice %arg4[%dma_wait3A_421, %dma_wait3A_432, %dma_wait3A_433] : memref<50x4096x128xf32, #tpu.memory_space<hbm>> -> memref<1x4096x128xf32, #tpu.memory_space<hbm>>
        %dma_wait3A_435 = tpu.memref_squeeze %dma_wait3A_434 : memref<1x4096x128xf32, #tpu.memory_space<hbm>> -> memref<4096x128xf32, #tpu.memory_space<hbm>>
        %dma_wait3A_436 = arith.constant 0 : i32
        %dma_wait3A_437 = tpu.memref_slice %dma_wait3A_435[%mul3A_2, %dma_wait3A_436] : memref<4096x128xf32, #tpu.memory_space<hbm>> -> memref<128x128xf32, #tpu.memory_space<hbm>>
        %dma_wait3A_438 = arith.constant 0 : i32
        %dma_wait3A_439 = arith.constant 0 : i32
        %dma_wait3A_440 = tpu.memref_slice %arg6[%dma_wait3A_420, %dma_wait3A_438, %dma_wait3A_439] : memref<5x128x128xf32, #tpu.memory_space<vmem>> -> memref<1x128x128xf32, #tpu.memory_space<vmem>>
        %dma_wait3A_441 = tpu.memref_squeeze %dma_wait3A_440 : memref<1x128x128xf32, #tpu.memory_space<vmem>> -> memref<128x128xf32, #tpu.memory_space<vmem>>
        tpu.wait_dma2 semaphore(%arg8 : memref<!tpu.dma_semaphore, #tpu.memory_space<semaphore_mem>>) src(%dma_wait3A_441 : memref<128x128xf32, #tpu.memory_space<vmem>>) dst(%dma_wait3A_437 : memref<128x128xf32, #tpu.memory_space<hbm>>)
      } else {
      }
      %lt3A_226 = arith.constant 50 : i32
      %lt3A_227 = arith.cmpi slt, %add3A_217, %lt3A_226 : i32
      %convert_element_type3A_228 = arith.extui %lt3A_227 : i1 to i32
      %cond3A_229 = arith.constant 0 : i32
      %cond3A_230 = arith.cmpi ne, %convert_element_type3A_228, %cond3A_229 : i32
      scf.if %cond3A_230 {
        %dma_start3A_420 = arith.constant 0 : i32
        %dma_start3A_421 = arith.constant 0 : i32
        %dma_start3A_422 = arith.constant 0 : i32
        %dma_start3A_423 = tpu.memref_slice %arg6[%dma_start3A_420, %dma_start3A_421, %dma_start3A_422] : memref<5x128x128xf32, #tpu.memory_space<vmem>> -> memref<1x128x128xf32, #tpu.memory_space<vmem>>
        %dma_start3A_424 = tpu.memref_squeeze %dma_start3A_423 : memref<1x128x128xf32, #tpu.memory_space<vmem>> -> memref<128x128xf32, #tpu.memory_space<vmem>>
        %dma_start3A_425 = arith.constant 0 : i32
        %dma_start3A_426 = tpu.memref_slice %arg5[%add3A_217, %dma_start3A_425] : memref<50x128xi32, #tpu.memory_space<vmem>> -> memref<1x128xi32, #tpu.memory_space<vmem>>
        %dma_start3A_427 = tpu.memref_squeeze %dma_start3A_426 : memref<1x128xi32, #tpu.memory_space<vmem>> -> memref<128xi32, #tpu.memory_space<vmem>>
        %dma_start3A_428 = arith.constant 0 : i32
        %dma_start3A_429 = arith.constant 0 : i32
        %dma_start3A_430 = tpu.memref_slice %arg3[%dma_start3A_428, %dma_start3A_429] : memref<100000x128xf32, #tpu.memory_space<hbm>> -> memref<100000x128xf32, #tpu.memory_space<hbm>>
        tpu.enqueue_indirect_dma source(%dma_start3A_430 : memref<100000x128xf32, #tpu.memory_space<hbm>>) target(%dma_start3A_424 : memref<128x128xf32, #tpu.memory_space<vmem>>) offsets(%dma_start3A_427 : memref<128xi32, #tpu.memory_space<vmem>>) semaphore(%arg7 : memref<!tpu.dma_semaphore, #tpu.memory_space<semaphore_mem>>)
      } else {
      }
      %dma_wait3A_231 = arith.constant 0 : i32
      %dma_wait3A_232 = arith.constant 1 : i32
      %dma_wait3A_233 = arith.constant 0 : i32
      %dma_wait3A_234 = arith.constant 0 : i32
      %dma_wait3A_235 = tpu.memref_slice %arg6[%dma_wait3A_232, %dma_wait3A_233, %dma_wait3A_234] : memref<5x128x128xf32, #tpu.memory_space<vmem>> -> memref<1x128x128xf32, #tpu.memory_space<vmem>>
      %dma_wait3A_236 = tpu.memref_squeeze %dma_wait3A_235 : memref<1x128x128xf32, #tpu.memory_space<vmem>> -> memref<128x128xf32, #tpu.memory_space<vmem>>
      %dma_wait3A_237 = arith.constant 0 : i32
      %dma_wait3A_238 = tpu.memref_slice %arg5[%dma_wait3A_231, %dma_wait3A_237] : memref<50x128xi32, #tpu.memory_space<vmem>> -> memref<1x128xi32, #tpu.memory_space<vmem>>
      %dma_wait3A_239 = tpu.memref_squeeze %dma_wait3A_238 : memref<1x128xi32, #tpu.memory_space<vmem>> -> memref<128xi32, #tpu.memory_space<vmem>>
      %dma_wait3A_240 = arith.constant 0 : i32
      %dma_wait3A_241 = arith.constant 0 : i32
      %dma_wait3A_242 = tpu.memref_slice %arg3[%dma_wait3A_240, %dma_wait3A_241] : memref<100000x128xf32, #tpu.memory_space<hbm>> -> memref<100000x128xf32, #tpu.memory_space<hbm>>
      tpu.wait_indirect_dma semaphore(%arg7 : memref<!tpu.dma_semaphore, #tpu.memory_space<semaphore_mem>>) src(%dma_wait3A_242 : memref<100000x128xf32, #tpu.memory_space<hbm>>) dst(%dma_wait3A_236 : memref<128x128xf32, #tpu.memory_space<vmem>>)
      %dma_start3A_243 = arith.constant 1 : i32
      %dma_start3A_244 = arith.constant 0 : i32
      %dma_start3A_245 = arith.constant 0 : i32
      %dma_start3A_246 = tpu.memref_slice %arg6[%dma_start3A_243, %dma_start3A_244, %dma_start3A_245] : memref<5x128x128xf32, #tpu.memory_space<vmem>> -> memref<1x128x128xf32, #tpu.memory_space<vmem>>
      %dma_start3A_247 = tpu.memref_squeeze %dma_start3A_246 : memref<1x128x128xf32, #tpu.memory_space<vmem>> -> memref<128x128xf32, #tpu.memory_space<vmem>>
      %dma_start3A_248 = arith.constant 0 : i32
      %dma_start3A_249 = arith.constant 0 : i32
      %dma_start3A_250 = tpu.memref_slice %arg4[%add3A_215, %dma_start3A_248, %dma_start3A_249] : memref<50x4096x128xf32, #tpu.memory_space<hbm>> -> memref<1x4096x128xf32, #tpu.memory_space<hbm>>
      %dma_start3A_251 = tpu.memref_squeeze %dma_start3A_250 : memref<1x4096x128xf32, #tpu.memory_space<hbm>> -> memref<4096x128xf32, #tpu.memory_space<hbm>>
      %dma_start3A_252 = arith.constant 0 : i32
      %dma_start3A_253 = tpu.memref_slice %dma_start3A_251[%mul3A_2, %dma_start3A_252] : memref<4096x128xf32, #tpu.memory_space<hbm>> -> memref<128x128xf32, #tpu.memory_space<hbm>>
      %dma_start3A_254 = arith.constant 0 : i32
      %dma_start3A_255 = arith.constant 0 : i32
      %dma_start3A_256 = tpu.memref_slice %arg4[%add3A_215, %dma_start3A_254, %dma_start3A_255] : memref<50x4096x128xf32, #tpu.memory_space<hbm>> -> memref<1x4096x128xf32, #tpu.memory_space<hbm>>
      %dma_start3A_257 = tpu.memref_squeeze %dma_start3A_256 : memref<1x4096x128xf32, #tpu.memory_space<hbm>> -> memref<4096x128xf32, #tpu.memory_space<hbm>>
      %dma_start3A_258 = arith.constant 0 : i32
      %dma_start3A_259 = tpu.memref_slice %dma_start3A_257[%mul3A_2, %dma_start3A_258] : memref<4096x128xf32, #tpu.memory_space<hbm>> -> memref<128x128xf32, #tpu.memory_space<hbm>>
      %dma_start3A_260 = arith.constant 0 : i32
      %dma_start3A_261 = arith.constant 0 : i32
      %dma_start3A_262 = tpu.memref_slice %arg6[%dma_start3A_243, %dma_start3A_260, %dma_start3A_261] : memref<5x128x128xf32, #tpu.memory_space<vmem>> -> memref<1x128x128xf32, #tpu.memory_space<vmem>>
      %dma_start3A_263 = tpu.memref_squeeze %dma_start3A_262 : memref<1x128x128xf32, #tpu.memory_space<vmem>> -> memref<128x128xf32, #tpu.memory_space<vmem>>
      tpu.enqueue_dma source(%dma_start3A_263 : memref<128x128xf32, #tpu.memory_space<vmem>>) target(%dma_start3A_259 : memref<128x128xf32, #tpu.memory_space<hbm>>) target_semaphore(%arg8 : memref<!tpu.dma_semaphore, #tpu.memory_space<semaphore_mem>>)
      %mul3A_264 = arith.constant 5 : i32
      %mul3A_265 = arith.muli %scan3A_164, %mul3A_264 : i32
      %add3A_266 = arith.constant 2 : i32
      %add3A_267 = arith.addi %mul3A_265, %add3A_266 : i32
      %add3A_268 = arith.constant 4 : i32
      %add3A_269 = arith.addi %add3A_267, %add3A_268 : i32
      %ge3A_270 = arith.constant 5 : i32
      %ge3A_271 = arith.cmpi sge, %add3A_269, %ge3A_270 : i32
      %lt3A_272 = arith.constant 50 : i32
      %lt3A_273 = arith.cmpi slt, %add3A_269, %lt3A_272 : i32
      %and3A_274 = arith.andi %ge3A_271, %lt3A_273 : i1
      %convert_element_type3A_275 = arith.extui %and3A_274 : i1 to i32
      %cond3A_276 = arith.constant 0 : i32
      %cond3A_277 = arith.cmpi ne, %convert_element_type3A_275, %cond3A_276 : i32
      scf.if %cond3A_277 {
        %dma_wait3A_420 = arith.constant 1 : i32
        %dma_wait3A_421 = arith.constant 0 : i32
        %dma_wait3A_422 = arith.constant 0 : i32
        %dma_wait3A_423 = arith.constant 0 : i32
        %dma_wait3A_424 = tpu.memref_slice %arg6[%dma_wait3A_420, %dma_wait3A_422, %dma_wait3A_423] : memref<5x128x128xf32, #tpu.memory_space<vmem>> -> memref<1x128x128xf32, #tpu.memory_space<vmem>>
        %dma_wait3A_425 = tpu.memref_squeeze %dma_wait3A_424 : memref<1x128x128xf32, #tpu.memory_space<vmem>> -> memref<128x128xf32, #tpu.memory_space<vmem>>
        %dma_wait3A_426 = arith.constant 0 : i32
        %dma_wait3A_427 = arith.constant 0 : i32
        %dma_wait3A_428 = tpu.memref_slice %arg4[%dma_wait3A_421, %dma_wait3A_426, %dma_wait3A_427] : memref<50x4096x128xf32, #tpu.memory_space<hbm>> -> memref<1x4096x128xf32, #tpu.memory_space<hbm>>
        %dma_wait3A_429 = tpu.memref_squeeze %dma_wait3A_428 : memref<1x4096x128xf32, #tpu.memory_space<hbm>> -> memref<4096x128xf32, #tpu.memory_space<hbm>>
        %dma_wait3A_430 = arith.constant 0 : i32
        %dma_wait3A_431 = tpu.memref_slice %dma_wait3A_429[%mul3A_2, %dma_wait3A_430] : memref<4096x128xf32, #tpu.memory_space<hbm>> -> memref<128x128xf32, #tpu.memory_space<hbm>>
        %dma_wait3A_432 = arith.constant 0 : i32
        %dma_wait3A_433 = arith.constant 0 : i32
        %dma_wait3A_434 = tpu.memref_slice %arg4[%dma_wait3A_421, %dma_wait3A_432, %dma_wait3A_433] : memref<50x4096x128xf32, #tpu.memory_space<hbm>> -> memref<1x4096x128xf32, #tpu.memory_space<hbm>>
        %dma_wait3A_435 = tpu.memref_squeeze %dma_wait3A_434 : memref<1x4096x128xf32, #tpu.memory_space<hbm>> -> memref<4096x128xf32, #tpu.memory_space<hbm>>
        %dma_wait3A_436 = arith.constant 0 : i32
        %dma_wait3A_437 = tpu.memref_slice %dma_wait3A_435[%mul3A_2, %dma_wait3A_436] : memref<4096x128xf32, #tpu.memory_space<hbm>> -> memref<128x128xf32, #tpu.memory_space<hbm>>
        %dma_wait3A_438 = arith.constant 0 : i32
        %dma_wait3A_439 = arith.constant 0 : i32
        %dma_wait3A_440 = tpu.memref_slice %arg6[%dma_wait3A_420, %dma_wait3A_438, %dma_wait3A_439] : memref<5x128x128xf32, #tpu.memory_space<vmem>> -> memref<1x128x128xf32, #tpu.memory_space<vmem>>
        %dma_wait3A_441 = tpu.memref_squeeze %dma_wait3A_440 : memref<1x128x128xf32, #tpu.memory_space<vmem>> -> memref<128x128xf32, #tpu.memory_space<vmem>>
        tpu.wait_dma2 semaphore(%arg8 : memref<!tpu.dma_semaphore, #tpu.memory_space<semaphore_mem>>) src(%dma_wait3A_441 : memref<128x128xf32, #tpu.memory_space<vmem>>) dst(%dma_wait3A_437 : memref<128x128xf32, #tpu.memory_space<hbm>>)
      } else {
      }
      %lt3A_278 = arith.constant 50 : i32
      %lt3A_279 = arith.cmpi slt, %add3A_269, %lt3A_278 : i32
      %convert_element_type3A_280 = arith.extui %lt3A_279 : i1 to i32
      %cond3A_281 = arith.constant 0 : i32
      %cond3A_282 = arith.cmpi ne, %convert_element_type3A_280, %cond3A_281 : i32
      scf.if %cond3A_282 {
        %dma_start3A_420 = arith.constant 1 : i32
        %dma_start3A_421 = arith.constant 0 : i32
        %dma_start3A_422 = arith.constant 0 : i32
        %dma_start3A_423 = tpu.memref_slice %arg6[%dma_start3A_420, %dma_start3A_421, %dma_start3A_422] : memref<5x128x128xf32, #tpu.memory_space<vmem>> -> memref<1x128x128xf32, #tpu.memory_space<vmem>>
        %dma_start3A_424 = tpu.memref_squeeze %dma_start3A_423 : memref<1x128x128xf32, #tpu.memory_space<vmem>> -> memref<128x128xf32, #tpu.memory_space<vmem>>
        %dma_start3A_425 = arith.constant 0 : i32
        %dma_start3A_426 = tpu.memref_slice %arg5[%add3A_269, %dma_start3A_425] : memref<50x128xi32, #tpu.memory_space<vmem>> -> memref<1x128xi32, #tpu.memory_space<vmem>>
        %dma_start3A_427 = tpu.memref_squeeze %dma_start3A_426 : memref<1x128xi32, #tpu.memory_space<vmem>> -> memref<128xi32, #tpu.memory_space<vmem>>
        %dma_start3A_428 = arith.constant 0 : i32
        %dma_start3A_429 = arith.constant 0 : i32
        %dma_start3A_430 = tpu.memref_slice %arg3[%dma_start3A_428, %dma_start3A_429] : memref<100000x128xf32, #tpu.memory_space<hbm>> -> memref<100000x128xf32, #tpu.memory_space<hbm>>
        tpu.enqueue_indirect_dma source(%dma_start3A_430 : memref<100000x128xf32, #tpu.memory_space<hbm>>) target(%dma_start3A_424 : memref<128x128xf32, #tpu.memory_space<vmem>>) offsets(%dma_start3A_427 : memref<128xi32, #tpu.memory_space<vmem>>) semaphore(%arg7 : memref<!tpu.dma_semaphore, #tpu.memory_space<semaphore_mem>>)
      } else {
      }
      %dma_wait3A_283 = arith.constant 0 : i32
      %dma_wait3A_284 = arith.constant 2 : i32
      %dma_wait3A_285 = arith.constant 0 : i32
      %dma_wait3A_286 = arith.constant 0 : i32
      %dma_wait3A_287 = tpu.memref_slice %arg6[%dma_wait3A_284, %dma_wait3A_285, %dma_wait3A_286] : memref<5x128x128xf32, #tpu.memory_space<vmem>> -> memref<1x128x128xf32, #tpu.memory_space<vmem>>
      %dma_wait3A_288 = tpu.memref_squeeze %dma_wait3A_287 : memref<1x128x128xf32, #tpu.memory_space<vmem>> -> memref<128x128xf32, #tpu.memory_space<vmem>>
      %dma_wait3A_289 = arith.constant 0 : i32
      %dma_wait3A_290 = tpu.memref_slice %arg5[%dma_wait3A_283, %dma_wait3A_289] : memref<50x128xi32, #tpu.memory_space<vmem>> -> memref<1x128xi32, #tpu.memory_space<vmem>>
      %dma_wait3A_291 = tpu.memref_squeeze %dma_wait3A_290 : memref<1x128xi32, #tpu.memory_space<vmem>> -> memref<128xi32, #tpu.memory_space<vmem>>
      %dma_wait3A_292 = arith.constant 0 : i32
      %dma_wait3A_293 = arith.constant 0 : i32
      %dma_wait3A_294 = tpu.memref_slice %arg3[%dma_wait3A_292, %dma_wait3A_293] : memref<100000x128xf32, #tpu.memory_space<hbm>> -> memref<100000x128xf32, #tpu.memory_space<hbm>>
      tpu.wait_indirect_dma semaphore(%arg7 : memref<!tpu.dma_semaphore, #tpu.memory_space<semaphore_mem>>) src(%dma_wait3A_294 : memref<100000x128xf32, #tpu.memory_space<hbm>>) dst(%dma_wait3A_288 : memref<128x128xf32, #tpu.memory_space<vmem>>)
      %dma_start3A_295 = arith.constant 2 : i32
      %dma_start3A_296 = arith.constant 0 : i32
      %dma_start3A_297 = arith.constant 0 : i32
      %dma_start3A_298 = tpu.memref_slice %arg6[%dma_start3A_295, %dma_start3A_296, %dma_start3A_297] : memref<5x128x128xf32, #tpu.memory_space<vmem>> -> memref<1x128x128xf32, #tpu.memory_space<vmem>>
      %dma_start3A_299 = tpu.memref_squeeze %dma_start3A_298 : memref<1x128x128xf32, #tpu.memory_space<vmem>> -> memref<128x128xf32, #tpu.memory_space<vmem>>
      %dma_start3A_300 = arith.constant 0 : i32
      %dma_start3A_301 = arith.constant 0 : i32
      %dma_start3A_302 = tpu.memref_slice %arg4[%add3A_267, %dma_start3A_300, %dma_start3A_301] : memref<50x4096x128xf32, #tpu.memory_space<hbm>> -> memref<1x4096x128xf32, #tpu.memory_space<hbm>>
      %dma_start3A_303 = tpu.memref_squeeze %dma_start3A_302 : memref<1x4096x128xf32, #tpu.memory_space<hbm>> -> memref<4096x128xf32, #tpu.memory_space<hbm>>
      %dma_start3A_304 = arith.constant 0 : i32
      %dma_start3A_305 = tpu.memref_slice %dma_start3A_303[%mul3A_2, %dma_start3A_304] : memref<4096x128xf32, #tpu.memory_space<hbm>> -> memref<128x128xf32, #tpu.memory_space<hbm>>
      %dma_start3A_306 = arith.constant 0 : i32
      %dma_start3A_307 = arith.constant 0 : i32
      %dma_start3A_308 = tpu.memref_slice %arg4[%add3A_267, %dma_start3A_306, %dma_start3A_307] : memref<50x4096x128xf32, #tpu.memory_space<hbm>> -> memref<1x4096x128xf32, #tpu.memory_space<hbm>>
      %dma_start3A_309 = tpu.memref_squeeze %dma_start3A_308 : memref<1x4096x128xf32, #tpu.memory_space<hbm>> -> memref<4096x128xf32, #tpu.memory_space<hbm>>
      %dma_start3A_310 = arith.constant 0 : i32
      %dma_start3A_311 = tpu.memref_slice %dma_start3A_309[%mul3A_2, %dma_start3A_310] : memref<4096x128xf32, #tpu.memory_space<hbm>> -> memref<128x128xf32, #tpu.memory_space<hbm>>
      %dma_start3A_312 = arith.constant 0 : i32
      %dma_start3A_313 = arith.constant 0 : i32
      %dma_start3A_314 = tpu.memref_slice %arg6[%dma_start3A_295, %dma_start3A_312, %dma_start3A_313] : memref<5x128x128xf32, #tpu.memory_space<vmem>> -> memref<1x128x128xf32, #tpu.memory_space<vmem>>
      %dma_start3A_315 = tpu.memref_squeeze %dma_start3A_314 : memref<1x128x128xf32, #tpu.memory_space<vmem>> -> memref<128x128xf32, #tpu.memory_space<vmem>>
      tpu.enqueue_dma source(%dma_start3A_315 : memref<128x128xf32, #tpu.memory_space<vmem>>) target(%dma_start3A_311 : memref<128x128xf32, #tpu.memory_space<hbm>>) target_semaphore(%arg8 : memref<!tpu.dma_semaphore, #tpu.memory_space<semaphore_mem>>)
      %mul3A_316 = arith.constant 5 : i32
      %mul3A_317 = arith.muli %scan3A_164, %mul3A_316 : i32
      %add3A_318 = arith.constant 3 : i32
      %add3A_319 = arith.addi %mul3A_317, %add3A_318 : i32
      %add3A_320 = arith.constant 4 : i32
      %add3A_321 = arith.addi %add3A_319, %add3A_320 : i32
      %ge3A_322 = arith.constant 5 : i32
      %ge3A_323 = arith.cmpi sge, %add3A_321, %ge3A_322 : i32
      %lt3A_324 = arith.constant 50 : i32
      %lt3A_325 = arith.cmpi slt, %add3A_321, %lt3A_324 : i32
      %and3A_326 = arith.andi %ge3A_323, %lt3A_325 : i1
      %convert_element_type3A_327 = arith.extui %and3A_326 : i1 to i32
      %cond3A_328 = arith.constant 0 : i32
      %cond3A_329 = arith.cmpi ne, %convert_element_type3A_327, %cond3A_328 : i32
      scf.if %cond3A_329 {
        %dma_wait3A_420 = arith.constant 2 : i32
        %dma_wait3A_421 = arith.constant 0 : i32
        %dma_wait3A_422 = arith.constant 0 : i32
        %dma_wait3A_423 = arith.constant 0 : i32
        %dma_wait3A_424 = tpu.memref_slice %arg6[%dma_wait3A_420, %dma_wait3A_422, %dma_wait3A_423] : memref<5x128x128xf32, #tpu.memory_space<vmem>> -> memref<1x128x128xf32, #tpu.memory_space<vmem>>
        %dma_wait3A_425 = tpu.memref_squeeze %dma_wait3A_424 : memref<1x128x128xf32, #tpu.memory_space<vmem>> -> memref<128x128xf32, #tpu.memory_space<vmem>>
        %dma_wait3A_426 = arith.constant 0 : i32
        %dma_wait3A_427 = arith.constant 0 : i32
        %dma_wait3A_428 = tpu.memref_slice %arg4[%dma_wait3A_421, %dma_wait3A_426, %dma_wait3A_427] : memref<50x4096x128xf32, #tpu.memory_space<hbm>> -> memref<1x4096x128xf32, #tpu.memory_space<hbm>>
        %dma_wait3A_429 = tpu.memref_squeeze %dma_wait3A_428 : memref<1x4096x128xf32, #tpu.memory_space<hbm>> -> memref<4096x128xf32, #tpu.memory_space<hbm>>
        %dma_wait3A_430 = arith.constant 0 : i32
        %dma_wait3A_431 = tpu.memref_slice %dma_wait3A_429[%mul3A_2, %dma_wait3A_430] : memref<4096x128xf32, #tpu.memory_space<hbm>> -> memref<128x128xf32, #tpu.memory_space<hbm>>
        %dma_wait3A_432 = arith.constant 0 : i32
        %dma_wait3A_433 = arith.constant 0 : i32
        %dma_wait3A_434 = tpu.memref_slice %arg4[%dma_wait3A_421, %dma_wait3A_432, %dma_wait3A_433] : memref<50x4096x128xf32, #tpu.memory_space<hbm>> -> memref<1x4096x128xf32, #tpu.memory_space<hbm>>
        %dma_wait3A_435 = tpu.memref_squeeze %dma_wait3A_434 : memref<1x4096x128xf32, #tpu.memory_space<hbm>> -> memref<4096x128xf32, #tpu.memory_space<hbm>>
        %dma_wait3A_436 = arith.constant 0 : i32
        %dma_wait3A_437 = tpu.memref_slice %dma_wait3A_435[%mul3A_2, %dma_wait3A_436] : memref<4096x128xf32, #tpu.memory_space<hbm>> -> memref<128x128xf32, #tpu.memory_space<hbm>>
        %dma_wait3A_438 = arith.constant 0 : i32
        %dma_wait3A_439 = arith.constant 0 : i32
        %dma_wait3A_440 = tpu.memref_slice %arg6[%dma_wait3A_420, %dma_wait3A_438, %dma_wait3A_439] : memref<5x128x128xf32, #tpu.memory_space<vmem>> -> memref<1x128x128xf32, #tpu.memory_space<vmem>>
        %dma_wait3A_441 = tpu.memref_squeeze %dma_wait3A_440 : memref<1x128x128xf32, #tpu.memory_space<vmem>> -> memref<128x128xf32, #tpu.memory_space<vmem>>
        tpu.wait_dma2 semaphore(%arg8 : memref<!tpu.dma_semaphore, #tpu.memory_space<semaphore_mem>>) src(%dma_wait3A_441 : memref<128x128xf32, #tpu.memory_space<vmem>>) dst(%dma_wait3A_437 : memref<128x128xf32, #tpu.memory_space<hbm>>)
      } else {
      }
      %lt3A_330 = arith.constant 50 : i32
      %lt3A_331 = arith.cmpi slt, %add3A_321, %lt3A_330 : i32
      %convert_element_type3A_332 = arith.extui %lt3A_331 : i1 to i32
      %cond3A_333 = arith.constant 0 : i32
      %cond3A_334 = arith.cmpi ne, %convert_element_type3A_332, %cond3A_333 : i32
      scf.if %cond3A_334 {
        %dma_start3A_420 = arith.constant 2 : i32
        %dma_start3A_421 = arith.constant 0 : i32
        %dma_start3A_422 = arith.constant 0 : i32
        %dma_start3A_423 = tpu.memref_slice %arg6[%dma_start3A_420, %dma_start3A_421, %dma_start3A_422] : memref<5x128x128xf32, #tpu.memory_space<vmem>> -> memref<1x128x128xf32, #tpu.memory_space<vmem>>
        %dma_start3A_424 = tpu.memref_squeeze %dma_start3A_423 : memref<1x128x128xf32, #tpu.memory_space<vmem>> -> memref<128x128xf32, #tpu.memory_space<vmem>>
        %dma_start3A_425 = arith.constant 0 : i32
        %dma_start3A_426 = tpu.memref_slice %arg5[%add3A_321, %dma_start3A_425] : memref<50x128xi32, #tpu.memory_space<vmem>> -> memref<1x128xi32, #tpu.memory_space<vmem>>
        %dma_start3A_427 = tpu.memref_squeeze %dma_start3A_426 : memref<1x128xi32, #tpu.memory_space<vmem>> -> memref<128xi32, #tpu.memory_space<vmem>>
        %dma_start3A_428 = arith.constant 0 : i32
        %dma_start3A_429 = arith.constant 0 : i32
        %dma_start3A_430 = tpu.memref_slice %arg3[%dma_start3A_428, %dma_start3A_429] : memref<100000x128xf32, #tpu.memory_space<hbm>> -> memref<100000x128xf32, #tpu.memory_space<hbm>>
        tpu.enqueue_indirect_dma source(%dma_start3A_430 : memref<100000x128xf32, #tpu.memory_space<hbm>>) target(%dma_start3A_424 : memref<128x128xf32, #tpu.memory_space<vmem>>) offsets(%dma_start3A_427 : memref<128xi32, #tpu.memory_space<vmem>>) semaphore(%arg7 : memref<!tpu.dma_semaphore, #tpu.memory_space<semaphore_mem>>)
      } else {
      }
      %dma_wait3A_335 = arith.constant 0 : i32
      %dma_wait3A_336 = arith.constant 3 : i32
      %dma_wait3A_337 = arith.constant 0 : i32
      %dma_wait3A_338 = arith.constant 0 : i32
      %dma_wait3A_339 = tpu.memref_slice %arg6[%dma_wait3A_336, %dma_wait3A_337, %dma_wait3A_338] : memref<5x128x128xf32, #tpu.memory_space<vmem>> -> memref<1x128x128xf32, #tpu.memory_space<vmem>>
      %dma_wait3A_340 = tpu.memref_squeeze %dma_wait3A_339 : memref<1x128x128xf32, #tpu.memory_space<vmem>> -> memref<128x128xf32, #tpu.memory_space<vmem>>
      %dma_wait3A_341 = arith.constant 0 : i32
      %dma_wait3A_342 = tpu.memref_slice %arg5[%dma_wait3A_335, %dma_wait3A_341] : memref<50x128xi32, #tpu.memory_space<vmem>> -> memref<1x128xi32, #tpu.memory_space<vmem>>
      %dma_wait3A_343 = tpu.memref_squeeze %dma_wait3A_342 : memref<1x128xi32, #tpu.memory_space<vmem>> -> memref<128xi32, #tpu.memory_space<vmem>>
      %dma_wait3A_344 = arith.constant 0 : i32
      %dma_wait3A_345 = arith.constant 0 : i32
      %dma_wait3A_346 = tpu.memref_slice %arg3[%dma_wait3A_344, %dma_wait3A_345] : memref<100000x128xf32, #tpu.memory_space<hbm>> -> memref<100000x128xf32, #tpu.memory_space<hbm>>
      tpu.wait_indirect_dma semaphore(%arg7 : memref<!tpu.dma_semaphore, #tpu.memory_space<semaphore_mem>>) src(%dma_wait3A_346 : memref<100000x128xf32, #tpu.memory_space<hbm>>) dst(%dma_wait3A_340 : memref<128x128xf32, #tpu.memory_space<vmem>>)
      %dma_start3A_347 = arith.constant 3 : i32
      %dma_start3A_348 = arith.constant 0 : i32
      %dma_start3A_349 = arith.constant 0 : i32
      %dma_start3A_350 = tpu.memref_slice %arg6[%dma_start3A_347, %dma_start3A_348, %dma_start3A_349] : memref<5x128x128xf32, #tpu.memory_space<vmem>> -> memref<1x128x128xf32, #tpu.memory_space<vmem>>
      %dma_start3A_351 = tpu.memref_squeeze %dma_start3A_350 : memref<1x128x128xf32, #tpu.memory_space<vmem>> -> memref<128x128xf32, #tpu.memory_space<vmem>>
      %dma_start3A_352 = arith.constant 0 : i32
      %dma_start3A_353 = arith.constant 0 : i32
      %dma_start3A_354 = tpu.memref_slice %arg4[%add3A_319, %dma_start3A_352, %dma_start3A_353] : memref<50x4096x128xf32, #tpu.memory_space<hbm>> -> memref<1x4096x128xf32, #tpu.memory_space<hbm>>
      %dma_start3A_355 = tpu.memref_squeeze %dma_start3A_354 : memref<1x4096x128xf32, #tpu.memory_space<hbm>> -> memref<4096x128xf32, #tpu.memory_space<hbm>>
      %dma_start3A_356 = arith.constant 0 : i32
      %dma_start3A_357 = tpu.memref_slice %dma_start3A_355[%mul3A_2, %dma_start3A_356] : memref<4096x128xf32, #tpu.memory_space<hbm>> -> memref<128x128xf32, #tpu.memory_space<hbm>>
      %dma_start3A_358 = arith.constant 0 : i32
      %dma_start3A_359 = arith.constant 0 : i32
      %dma_start3A_360 = tpu.memref_slice %arg4[%add3A_319, %dma_start3A_358, %dma_start3A_359] : memref<50x4096x128xf32, #tpu.memory_space<hbm>> -> memref<1x4096x128xf32, #tpu.memory_space<hbm>>
      %dma_start3A_361 = tpu.memref_squeeze %dma_start3A_360 : memref<1x4096x128xf32, #tpu.memory_space<hbm>> -> memref<4096x128xf32, #tpu.memory_space<hbm>>
      %dma_start3A_362 = arith.constant 0 : i32
      %dma_start3A_363 = tpu.memref_slice %dma_start3A_361[%mul3A_2, %dma_start3A_362] : memref<4096x128xf32, #tpu.memory_space<hbm>> -> memref<128x128xf32, #tpu.memory_space<hbm>>
      %dma_start3A_364 = arith.constant 0 : i32
      %dma_start3A_365 = arith.constant 0 : i32
      %dma_start3A_366 = tpu.memref_slice %arg6[%dma_start3A_347, %dma_start3A_364, %dma_start3A_365] : memref<5x128x128xf32, #tpu.memory_space<vmem>> -> memref<1x128x128xf32, #tpu.memory_space<vmem>>
      %dma_start3A_367 = tpu.memref_squeeze %dma_start3A_366 : memref<1x128x128xf32, #tpu.memory_space<vmem>> -> memref<128x128xf32, #tpu.memory_space<vmem>>
      tpu.enqueue_dma source(%dma_start3A_367 : memref<128x128xf32, #tpu.memory_space<vmem>>) target(%dma_start3A_363 : memref<128x128xf32, #tpu.memory_space<hbm>>) target_semaphore(%arg8 : memref<!tpu.dma_semaphore, #tpu.memory_space<semaphore_mem>>)
      %mul3A_368 = arith.constant 5 : i32
      %mul3A_369 = arith.muli %scan3A_164, %mul3A_368 : i32
      %add3A_370 = arith.constant 4 : i32
      %add3A_371 = arith.addi %mul3A_369, %add3A_370 : i32
      %add3A_372 = arith.constant 4 : i32
      %add3A_373 = arith.addi %add3A_371, %add3A_372 : i32
      %ge3A_374 = arith.constant 5 : i32
      %ge3A_375 = arith.cmpi sge, %add3A_373, %ge3A_374 : i32
      %lt3A_376 = arith.constant 50 : i32
      %lt3A_377 = arith.cmpi slt, %add3A_373, %lt3A_376 : i32
      %and3A_378 = arith.andi %ge3A_375, %lt3A_377 : i1
      %convert_element_type3A_379 = arith.extui %and3A_378 : i1 to i32
      %cond3A_380 = arith.constant 0 : i32
      %cond3A_381 = arith.cmpi ne, %convert_element_type3A_379, %cond3A_380 : i32
      scf.if %cond3A_381 {
        %dma_wait3A_420 = arith.constant 3 : i32
        %dma_wait3A_421 = arith.constant 0 : i32
        %dma_wait3A_422 = arith.constant 0 : i32
        %dma_wait3A_423 = arith.constant 0 : i32
        %dma_wait3A_424 = tpu.memref_slice %arg6[%dma_wait3A_420, %dma_wait3A_422, %dma_wait3A_423] : memref<5x128x128xf32, #tpu.memory_space<vmem>> -> memref<1x128x128xf32, #tpu.memory_space<vmem>>
        %dma_wait3A_425 = tpu.memref_squeeze %dma_wait3A_424 : memref<1x128x128xf32, #tpu.memory_space<vmem>> -> memref<128x128xf32, #tpu.memory_space<vmem>>
        %dma_wait3A_426 = arith.constant 0 : i32
        %dma_wait3A_427 = arith.constant 0 : i32
        %dma_wait3A_428 = tpu.memref_slice %arg4[%dma_wait3A_421, %dma_wait3A_426, %dma_wait3A_427] : memref<50x4096x128xf32, #tpu.memory_space<hbm>> -> memref<1x4096x128xf32, #tpu.memory_space<hbm>>
        %dma_wait3A_429 = tpu.memref_squeeze %dma_wait3A_428 : memref<1x4096x128xf32, #tpu.memory_space<hbm>> -> memref<4096x128xf32, #tpu.memory_space<hbm>>
        %dma_wait3A_430 = arith.constant 0 : i32
        %dma_wait3A_431 = tpu.memref_slice %dma_wait3A_429[%mul3A_2, %dma_wait3A_430] : memref<4096x128xf32, #tpu.memory_space<hbm>> -> memref<128x128xf32, #tpu.memory_space<hbm>>
        %dma_wait3A_432 = arith.constant 0 : i32
        %dma_wait3A_433 = arith.constant 0 : i32
        %dma_wait3A_434 = tpu.memref_slice %arg4[%dma_wait3A_421, %dma_wait3A_432, %dma_wait3A_433] : memref<50x4096x128xf32, #tpu.memory_space<hbm>> -> memref<1x4096x128xf32, #tpu.memory_space<hbm>>
        %dma_wait3A_435 = tpu.memref_squeeze %dma_wait3A_434 : memref<1x4096x128xf32, #tpu.memory_space<hbm>> -> memref<4096x128xf32, #tpu.memory_space<hbm>>
        %dma_wait3A_436 = arith.constant 0 : i32
        %dma_wait3A_437 = tpu.memref_slice %dma_wait3A_435[%mul3A_2, %dma_wait3A_436] : memref<4096x128xf32, #tpu.memory_space<hbm>> -> memref<128x128xf32, #tpu.memory_space<hbm>>
        %dma_wait3A_438 = arith.constant 0 : i32
        %dma_wait3A_439 = arith.constant 0 : i32
        %dma_wait3A_440 = tpu.memref_slice %arg6[%dma_wait3A_420, %dma_wait3A_438, %dma_wait3A_439] : memref<5x128x128xf32, #tpu.memory_space<vmem>> -> memref<1x128x128xf32, #tpu.memory_space<vmem>>
        %dma_wait3A_441 = tpu.memref_squeeze %dma_wait3A_440 : memref<1x128x128xf32, #tpu.memory_space<vmem>> -> memref<128x128xf32, #tpu.memory_space<vmem>>
        tpu.wait_dma2 semaphore(%arg8 : memref<!tpu.dma_semaphore, #tpu.memory_space<semaphore_mem>>) src(%dma_wait3A_441 : memref<128x128xf32, #tpu.memory_space<vmem>>) dst(%dma_wait3A_437 : memref<128x128xf32, #tpu.memory_space<hbm>>)
      } else {
      }
      %lt3A_382 = arith.constant 50 : i32
      %lt3A_383 = arith.cmpi slt, %add3A_373, %lt3A_382 : i32
      %convert_element_type3A_384 = arith.extui %lt3A_383 : i1 to i32
      %cond3A_385 = arith.constant 0 : i32
      %cond3A_386 = arith.cmpi ne, %convert_element_type3A_384, %cond3A_385 : i32
      scf.if %cond3A_386 {
        %dma_start3A_420 = arith.constant 3 : i32
        %dma_start3A_421 = arith.constant 0 : i32
        %dma_start3A_422 = arith.constant 0 : i32
        %dma_start3A_423 = tpu.memref_slice %arg6[%dma_start3A_420, %dma_start3A_421, %dma_start3A_422] : memref<5x128x128xf32, #tpu.memory_space<vmem>> -> memref<1x128x128xf32, #tpu.memory_space<vmem>>
        %dma_start3A_424 = tpu.memref_squeeze %dma_start3A_423 : memref<1x128x128xf32, #tpu.memory_space<vmem>> -> memref<128x128xf32, #tpu.memory_space<vmem>>
        %dma_start3A_425 = arith.constant 0 : i32
        %dma_start3A_426 = tpu.memref_slice %arg5[%add3A_373, %dma_start3A_425] : memref<50x128xi32, #tpu.memory_space<vmem>> -> memref<1x128xi32, #tpu.memory_space<vmem>>
        %dma_start3A_427 = tpu.memref_squeeze %dma_start3A_426 : memref<1x128xi32, #tpu.memory_space<vmem>> -> memref<128xi32, #tpu.memory_space<vmem>>
        %dma_start3A_428 = arith.constant 0 : i32
        %dma_start3A_429 = arith.constant 0 : i32
        %dma_start3A_430 = tpu.memref_slice %arg3[%dma_start3A_428, %dma_start3A_429] : memref<100000x128xf32, #tpu.memory_space<hbm>> -> memref<100000x128xf32, #tpu.memory_space<hbm>>
        tpu.enqueue_indirect_dma source(%dma_start3A_430 : memref<100000x128xf32, #tpu.memory_space<hbm>>) target(%dma_start3A_424 : memref<128x128xf32, #tpu.memory_space<vmem>>) offsets(%dma_start3A_427 : memref<128xi32, #tpu.memory_space<vmem>>) semaphore(%arg7 : memref<!tpu.dma_semaphore, #tpu.memory_space<semaphore_mem>>)
      } else {
      }
      %dma_wait3A_387 = arith.constant 0 : i32
      %dma_wait3A_388 = arith.constant 4 : i32
      %dma_wait3A_389 = arith.constant 0 : i32
      %dma_wait3A_390 = arith.constant 0 : i32
      %dma_wait3A_391 = tpu.memref_slice %arg6[%dma_wait3A_388, %dma_wait3A_389, %dma_wait3A_390] : memref<5x128x128xf32, #tpu.memory_space<vmem>> -> memref<1x128x128xf32, #tpu.memory_space<vmem>>
      %dma_wait3A_392 = tpu.memref_squeeze %dma_wait3A_391 : memref<1x128x128xf32, #tpu.memory_space<vmem>> -> memref<128x128xf32, #tpu.memory_space<vmem>>
      %dma_wait3A_393 = arith.constant 0 : i32
      %dma_wait3A_394 = tpu.memref_slice %arg5[%dma_wait3A_387, %dma_wait3A_393] : memref<50x128xi32, #tpu.memory_space<vmem>> -> memref<1x128xi32, #tpu.memory_space<vmem>>
      %dma_wait3A_395 = tpu.memref_squeeze %dma_wait3A_394 : memref<1x128xi32, #tpu.memory_space<vmem>> -> memref<128xi32, #tpu.memory_space<vmem>>
      %dma_wait3A_396 = arith.constant 0 : i32
      %dma_wait3A_397 = arith.constant 0 : i32
      %dma_wait3A_398 = tpu.memref_slice %arg3[%dma_wait3A_396, %dma_wait3A_397] : memref<100000x128xf32, #tpu.memory_space<hbm>> -> memref<100000x128xf32, #tpu.memory_space<hbm>>
      tpu.wait_indirect_dma semaphore(%arg7 : memref<!tpu.dma_semaphore, #tpu.memory_space<semaphore_mem>>) src(%dma_wait3A_398 : memref<100000x128xf32, #tpu.memory_space<hbm>>) dst(%dma_wait3A_392 : memref<128x128xf32, #tpu.memory_space<vmem>>)
      %dma_start3A_399 = arith.constant 4 : i32
      %dma_start3A_400 = arith.constant 0 : i32
      %dma_start3A_401 = arith.constant 0 : i32
      %dma_start3A_402 = tpu.memref_slice %arg6[%dma_start3A_399, %dma_start3A_400, %dma_start3A_401] : memref<5x128x128xf32, #tpu.memory_space<vmem>> -> memref<1x128x128xf32, #tpu.memory_space<vmem>>
      %dma_start3A_403 = tpu.memref_squeeze %dma_start3A_402 : memref<1x128x128xf32, #tpu.memory_space<vmem>> -> memref<128x128xf32, #tpu.memory_space<vmem>>
      %dma_start3A_404 = arith.constant 0 : i32
      %dma_start3A_405 = arith.constant 0 : i32
      %dma_start3A_406 = tpu.memref_slice %arg4[%add3A_371, %dma_start3A_404, %dma_start3A_405] : memref<50x4096x128xf32, #tpu.memory_space<hbm>> -> memref<1x4096x128xf32, #tpu.memory_space<hbm>>
      %dma_start3A_407 = tpu.memref_squeeze %dma_start3A_406 : memref<1x4096x128xf32, #tpu.memory_space<hbm>> -> memref<4096x128xf32, #tpu.memory_space<hbm>>
      %dma_start3A_408 = arith.constant 0 : i32
      %dma_start3A_409 = tpu.memref_slice %dma_start3A_407[%mul3A_2, %dma_start3A_408] : memref<4096x128xf32, #tpu.memory_space<hbm>> -> memref<128x128xf32, #tpu.memory_space<hbm>>
      %dma_start3A_410 = arith.constant 0 : i32
      %dma_start3A_411 = arith.constant 0 : i32
      %dma_start3A_412 = tpu.memref_slice %arg4[%add3A_371, %dma_start3A_410, %dma_start3A_411] : memref<50x4096x128xf32, #tpu.memory_space<hbm>> -> memref<1x4096x128xf32, #tpu.memory_space<hbm>>
      %dma_start3A_413 = tpu.memref_squeeze %dma_start3A_412 : memref<1x4096x128xf32, #tpu.memory_space<hbm>> -> memref<4096x128xf32, #tpu.memory_space<hbm>>
      %dma_start3A_414 = arith.constant 0 : i32
      %dma_start3A_415 = tpu.memref_slice %dma_start3A_413[%mul3A_2, %dma_start3A_414] : memref<4096x128xf32, #tpu.memory_space<hbm>> -> memref<128x128xf32, #tpu.memory_space<hbm>>
      %dma_start3A_416 = arith.constant 0 : i32
      %dma_start3A_417 = arith.constant 0 : i32
      %dma_start3A_418 = tpu.memref_slice %arg6[%dma_start3A_399, %dma_start3A_416, %dma_start3A_417] : memref<5x128x128xf32, #tpu.memory_space<vmem>> -> memref<1x128x128xf32, #tpu.memory_space<vmem>>
      %dma_start3A_419 = tpu.memref_squeeze %dma_start3A_418 : memref<1x128x128xf32, #tpu.memory_space<vmem>> -> memref<128x128xf32, #tpu.memory_space<vmem>>
      tpu.enqueue_dma source(%dma_start3A_419 : memref<128x128xf32, #tpu.memory_space<vmem>>) target(%dma_start3A_415 : memref<128x128xf32, #tpu.memory_space<hbm>>) target_semaphore(%arg8 : memref<!tpu.dma_semaphore, #tpu.memory_space<semaphore_mem>>)
    }
    %scan3A_54 = arith.constant 10 : i32
    %dma_wait3A = arith.constant 0 : i32
    %dma_wait3A_55 = arith.constant 0 : i32
    %dma_wait3A_56 = arith.constant 0 : i32
    %dma_wait3A_57 = arith.constant 0 : i32
    %dma_wait3A_58 = tpu.memref_slice %arg6[%dma_wait3A, %dma_wait3A_56, %dma_wait3A_57] : memref<5x128x128xf32, #tpu.memory_space<vmem>> -> memref<1x128x128xf32, #tpu.memory_space<vmem>>
    %dma_wait3A_59 = tpu.memref_squeeze %dma_wait3A_58 : memref<1x128x128xf32, #tpu.memory_space<vmem>> -> memref<128x128xf32, #tpu.memory_space<vmem>>
    %dma_wait3A_60 = arith.constant 0 : i32
    %dma_wait3A_61 = arith.constant 0 : i32
    %dma_wait3A_62 = tpu.memref_slice %arg4[%dma_wait3A_55, %dma_wait3A_60, %dma_wait3A_61] : memref<50x4096x128xf32, #tpu.memory_space<hbm>> -> memref<1x4096x128xf32, #tpu.memory_space<hbm>>
    %dma_wait3A_63 = tpu.memref_squeeze %dma_wait3A_62 : memref<1x4096x128xf32, #tpu.memory_space<hbm>> -> memref<4096x128xf32, #tpu.memory_space<hbm>>
    %dma_wait3A_64 = arith.constant 0 : i32
    %dma_wait3A_65 = tpu.memref_slice %dma_wait3A_63[%mul3A_2, %dma_wait3A_64] : memref<4096x128xf32, #tpu.memory_space<hbm>> -> memref<128x128xf32, #tpu.memory_space<hbm>>
    %dma_wait3A_66 = arith.constant 0 : i32
    %dma_wait3A_67 = arith.constant 0 : i32
    %dma_wait3A_68 = tpu.memref_slice %arg4[%dma_wait3A_55, %dma_wait3A_66, %dma_wait3A_67] : memref<50x4096x128xf32, #tpu.memory_space<hbm>> -> memref<1x4096x128xf32, #tpu.memory_space<hbm>>
    %dma_wait3A_69 = tpu.memref_squeeze %dma_wait3A_68 : memref<1x4096x128xf32, #tpu.memory_space<hbm>> -> memref<4096x128xf32, #tpu.memory_space<hbm>>
    %dma_wait3A_70 = arith.constant 0 : i32
    %dma_wait3A_71 = tpu.memref_slice %dma_wait3A_69[%mul3A_2, %dma_wait3A_70] : memref<4096x128xf32, #tpu.memory_space<hbm>> -> memref<128x128xf32, #tpu.memory_space<hbm>>
    %dma_wait3A_72 = arith.constant 0 : i32
    %dma_wait3A_73 = arith.constant 0 : i32
    %dma_wait3A_74 = tpu.memref_slice %arg6[%dma_wait3A, %dma_wait3A_72, %dma_wait3A_73] : memref<5x128x128xf32, #tpu.memory_space<vmem>> -> memref<1x128x128xf32, #tpu.memory_space<vmem>>
    %dma_wait3A_75 = tpu.memref_squeeze %dma_wait3A_74 : memref<1x128x128xf32, #tpu.memory_space<vmem>> -> memref<128x128xf32, #tpu.memory_space<vmem>>
    tpu.wait_dma2 semaphore(%arg8 : memref<!tpu.dma_semaphore, #tpu.memory_space<semaphore_mem>>) src(%dma_wait3A_75 : memref<128x128xf32, #tpu.memory_space<vmem>>) dst(%dma_wait3A_71 : memref<128x128xf32, #tpu.memory_space<hbm>>)
    %dma_wait3A_76 = arith.constant 1 : i32
    %dma_wait3A_77 = arith.constant 0 : i32
    %dma_wait3A_78 = arith.constant 0 : i32
    %dma_wait3A_79 = arith.constant 0 : i32
    %dma_wait3A_80 = tpu.memref_slice %arg6[%dma_wait3A_76, %dma_wait3A_78, %dma_wait3A_79] : memref<5x128x128xf32, #tpu.memory_space<vmem>> -> memref<1x128x128xf32, #tpu.memory_space<vmem>>
    %dma_wait3A_81 = tpu.memref_squeeze %dma_wait3A_80 : memref<1x128x128xf32, #tpu.memory_space<vmem>> -> memref<128x128xf32, #tpu.memory_space<vmem>>
    %dma_wait3A_82 = arith.constant 0 : i32
    %dma_wait3A_83 = arith.constant 0 : i32
    %dma_wait3A_84 = tpu.memref_slice %arg4[%dma_wait3A_77, %dma_wait3A_82, %dma_wait3A_83] : memref<50x4096x128xf32, #tpu.memory_space<hbm>> -> memref<1x4096x128xf32, #tpu.memory_space<hbm>>
    %dma_wait3A_85 = tpu.memref_squeeze %dma_wait3A_84 : memref<1x4096x128xf32, #tpu.memory_space<hbm>> -> memref<4096x128xf32, #tpu.memory_space<hbm>>
    %dma_wait3A_86 = arith.constant 0 : i32
    %dma_wait3A_87 = tpu.memref_slice %dma_wait3A_85[%mul3A_2, %dma_wait3A_86] : memref<4096x128xf32, #tpu.memory_space<hbm>> -> memref<128x128xf32, #tpu.memory_space<hbm>>
    %dma_wait3A_88 = arith.constant 0 : i32
    %dma_wait3A_89 = arith.constant 0 : i32
    %dma_wait3A_90 = tpu.memref_slice %arg4[%dma_wait3A_77, %dma_wait3A_88, %dma_wait3A_89] : memref<50x4096x128xf32, #tpu.memory_space<hbm>> -> memref<1x4096x128xf32, #tpu.memory_space<hbm>>
    %dma_wait3A_91 = tpu.memref_squeeze %dma_wait3A_90 : memref<1x4096x128xf32, #tpu.memory_space<hbm>> -> memref<4096x128xf32, #tpu.memory_space<hbm>>
    %dma_wait3A_92 = arith.constant 0 : i32
    %dma_wait3A_93 = tpu.memref_slice %dma_wait3A_91[%mul3A_2, %dma_wait3A_92] : memref<4096x128xf32, #tpu.memory_space<hbm>> -> memref<128x128xf32, #tpu.memory_space<hbm>>
    %dma_wait3A_94 = arith.constant 0 : i32
    %dma_wait3A_95 = arith.constant 0 : i32
    %dma_wait3A_96 = tpu.memref_slice %arg6[%dma_wait3A_76, %dma_wait3A_94, %dma_wait3A_95] : memref<5x128x128xf32, #tpu.memory_space<vmem>> -> memref<1x128x128xf32, #tpu.memory_space<vmem>>
    %dma_wait3A_97 = tpu.memref_squeeze %dma_wait3A_96 : memref<1x128x128xf32, #tpu.memory_space<vmem>> -> memref<128x128xf32, #tpu.memory_space<vmem>>
    tpu.wait_dma2 semaphore(%arg8 : memref<!tpu.dma_semaphore, #tpu.memory_space<semaphore_mem>>) src(%dma_wait3A_97 : memref<128x128xf32, #tpu.memory_space<vmem>>) dst(%dma_wait3A_93 : memref<128x128xf32, #tpu.memory_space<hbm>>)
    %dma_wait3A_98 = arith.constant 2 : i32
    %dma_wait3A_99 = arith.constant 0 : i32
    %dma_wait3A_100 = arith.constant 0 : i32
    %dma_wait3A_101 = arith.constant 0 : i32
    %dma_wait3A_102 = tpu.memref_slice %arg6[%dma_wait3A_98, %dma_wait3A_100, %dma_wait3A_101] : memref<5x128x128xf32, #tpu.memory_space<vmem>> -> memref<1x128x128xf32, #tpu.memory_space<vmem>>
    %dma_wait3A_103 = tpu.memref_squeeze %dma_wait3A_102 : memref<1x128x128xf32, #tpu.memory_space<vmem>> -> memref<128x128xf32, #tpu.memory_space<vmem>>
    %dma_wait3A_104 = arith.constant 0 : i32
    %dma_wait3A_105 = arith.constant 0 : i32
    %dma_wait3A_106 = tpu.memref_slice %arg4[%dma_wait3A_99, %dma_wait3A_104, %dma_wait3A_105] : memref<50x4096x128xf32, #tpu.memory_space<hbm>> -> memref<1x4096x128xf32, #tpu.memory_space<hbm>>
    %dma_wait3A_107 = tpu.memref_squeeze %dma_wait3A_106 : memref<1x4096x128xf32, #tpu.memory_space<hbm>> -> memref<4096x128xf32, #tpu.memory_space<hbm>>
    %dma_wait3A_108 = arith.constant 0 : i32
    %dma_wait3A_109 = tpu.memref_slice %dma_wait3A_107[%mul3A_2, %dma_wait3A_108] : memref<4096x128xf32, #tpu.memory_space<hbm>> -> memref<128x128xf32, #tpu.memory_space<hbm>>
    %dma_wait3A_110 = arith.constant 0 : i32
    %dma_wait3A_111 = arith.constant 0 : i32
    %dma_wait3A_112 = tpu.memref_slice %arg4[%dma_wait3A_99, %dma_wait3A_110, %dma_wait3A_111] : memref<50x4096x128xf32, #tpu.memory_space<hbm>> -> memref<1x4096x128xf32, #tpu.memory_space<hbm>>
    %dma_wait3A_113 = tpu.memref_squeeze %dma_wait3A_112 : memref<1x4096x128xf32, #tpu.memory_space<hbm>> -> memref<4096x128xf32, #tpu.memory_space<hbm>>
    %dma_wait3A_114 = arith.constant 0 : i32
    %dma_wait3A_115 = tpu.memref_slice %dma_wait3A_113[%mul3A_2, %dma_wait3A_114] : memref<4096x128xf32, #tpu.memory_space<hbm>> -> memref<128x128xf32, #tpu.memory_space<hbm>>
    %dma_wait3A_116 = arith.constant 0 : i32
    %dma_wait3A_117 = arith.constant 0 : i32
    %dma_wait3A_118 = tpu.memref_slice %arg6[%dma_wait3A_98, %dma_wait3A_116, %dma_wait3A_117] : memref<5x128x128xf32, #tpu.memory_space<vmem>> -> memref<1x128x128xf32, #tpu.memory_space<vmem>>
    %dma_wait3A_119 = tpu.memref_squeeze %dma_wait3A_118 : memref<1x128x128xf32, #tpu.memory_space<vmem>> -> memref<128x128xf32, #tpu.memory_space<vmem>>
    tpu.wait_dma2 semaphore(%arg8 : memref<!tpu.dma_semaphore, #tpu.memory_space<semaphore_mem>>) src(%dma_wait3A_119 : memref<128x128xf32, #tpu.memory_space<vmem>>) dst(%dma_wait3A_115 : memref<128x128xf32, #tpu.memory_space<hbm>>)
    %dma_wait3A_120 = arith.constant 3 : i32
    %dma_wait3A_121 = arith.constant 0 : i32
    %dma_wait3A_122 = arith.constant 0 : i32
    %dma_wait3A_123 = arith.constant 0 : i32
    %dma_wait3A_124 = tpu.memref_slice %arg6[%dma_wait3A_120, %dma_wait3A_122, %dma_wait3A_123] : memref<5x128x128xf32, #tpu.memory_space<vmem>> -> memref<1x128x128xf32, #tpu.memory_space<vmem>>
    %dma_wait3A_125 = tpu.memref_squeeze %dma_wait3A_124 : memref<1x128x128xf32, #tpu.memory_space<vmem>> -> memref<128x128xf32, #tpu.memory_space<vmem>>
    %dma_wait3A_126 = arith.constant 0 : i32
    %dma_wait3A_127 = arith.constant 0 : i32
    %dma_wait3A_128 = tpu.memref_slice %arg4[%dma_wait3A_121, %dma_wait3A_126, %dma_wait3A_127] : memref<50x4096x128xf32, #tpu.memory_space<hbm>> -> memref<1x4096x128xf32, #tpu.memory_space<hbm>>
    %dma_wait3A_129 = tpu.memref_squeeze %dma_wait3A_128 : memref<1x4096x128xf32, #tpu.memory_space<hbm>> -> memref<4096x128xf32, #tpu.memory_space<hbm>>
    %dma_wait3A_130 = arith.constant 0 : i32
    %dma_wait3A_131 = tpu.memref_slice %dma_wait3A_129[%mul3A_2, %dma_wait3A_130] : memref<4096x128xf32, #tpu.memory_space<hbm>> -> memref<128x128xf32, #tpu.memory_space<hbm>>
    %dma_wait3A_132 = arith.constant 0 : i32
    %dma_wait3A_133 = arith.constant 0 : i32
    %dma_wait3A_134 = tpu.memref_slice %arg4[%dma_wait3A_121, %dma_wait3A_132, %dma_wait3A_133] : memref<50x4096x128xf32, #tpu.memory_space<hbm>> -> memref<1x4096x128xf32, #tpu.memory_space<hbm>>
    %dma_wait3A_135 = tpu.memref_squeeze %dma_wait3A_134 : memref<1x4096x128xf32, #tpu.memory_space<hbm>> -> memref<4096x128xf32, #tpu.memory_space<hbm>>
    %dma_wait3A_136 = arith.constant 0 : i32
    %dma_wait3A_137 = tpu.memref_slice %dma_wait3A_135[%mul3A_2, %dma_wait3A_136] : memref<4096x128xf32, #tpu.memory_space<hbm>> -> memref<128x128xf32, #tpu.memory_space<hbm>>
    %dma_wait3A_138 = arith.constant 0 : i32
    %dma_wait3A_139 = arith.constant 0 : i32
    %dma_wait3A_140 = tpu.memref_slice %arg6[%dma_wait3A_120, %dma_wait3A_138, %dma_wait3A_139] : memref<5x128x128xf32, #tpu.memory_space<vmem>> -> memref<1x128x128xf32, #tpu.memory_space<vmem>>
    %dma_wait3A_141 = tpu.memref_squeeze %dma_wait3A_140 : memref<1x128x128xf32, #tpu.memory_space<vmem>> -> memref<128x128xf32, #tpu.memory_space<vmem>>
    tpu.wait_dma2 semaphore(%arg8 : memref<!tpu.dma_semaphore, #tpu.memory_space<semaphore_mem>>) src(%dma_wait3A_141 : memref<128x128xf32, #tpu.memory_space<vmem>>) dst(%dma_wait3A_137 : memref<128x128xf32, #tpu.memory_space<hbm>>)
    %dma_wait3A_142 = arith.constant 4 : i32
    %dma_wait3A_143 = arith.constant 0 : i32
    %dma_wait3A_144 = arith.constant 0 : i32
    %dma_wait3A_145 = arith.constant 0 : i32
    %dma_wait3A_146 = tpu.memref_slice %arg6[%dma_wait3A_142, %dma_wait3A_144, %dma_wait3A_145] : memref<5x128x128xf32, #tpu.memory_space<vmem>> -> memref<1x128x128xf32, #tpu.memory_space<vmem>>
    %dma_wait3A_147 = tpu.memref_squeeze %dma_wait3A_146 : memref<1x128x128xf32, #tpu.memory_space<vmem>> -> memref<128x128xf32, #tpu.memory_space<vmem>>
    %dma_wait3A_148 = arith.constant 0 : i32
    %dma_wait3A_149 = arith.constant 0 : i32
    %dma_wait3A_150 = tpu.memref_slice %arg4[%dma_wait3A_143, %dma_wait3A_148, %dma_wait3A_149] : memref<50x4096x128xf32, #tpu.memory_space<hbm>> -> memref<1x4096x128xf32, #tpu.memory_space<hbm>>
    %dma_wait3A_151 = tpu.memref_squeeze %dma_wait3A_150 : memref<1x4096x128xf32, #tpu.memory_space<hbm>> -> memref<4096x128xf32, #tpu.memory_space<hbm>>
    %dma_wait3A_152 = arith.constant 0 : i32
    %dma_wait3A_153 = tpu.memref_slice %dma_wait3A_151[%mul3A_2, %dma_wait3A_152] : memref<4096x128xf32, #tpu.memory_space<hbm>> -> memref<128x128xf32, #tpu.memory_space<hbm>>
    %dma_wait3A_154 = arith.constant 0 : i32
    %dma_wait3A_155 = arith.constant 0 : i32
    %dma_wait3A_156 = tpu.memref_slice %arg4[%dma_wait3A_143, %dma_wait3A_154, %dma_wait3A_155] : memref<50x4096x128xf32, #tpu.memory_space<hbm>> -> memref<1x4096x128xf32, #tpu.memory_space<hbm>>
    %dma_wait3A_157 = tpu.memref_squeeze %dma_wait3A_156 : memref<1x4096x128xf32, #tpu.memory_space<hbm>> -> memref<4096x128xf32, #tpu.memory_space<hbm>>
    %dma_wait3A_158 = arith.constant 0 : i32
    %dma_wait3A_159 = tpu.memref_slice %dma_wait3A_157[%mul3A_2, %dma_wait3A_158] : memref<4096x128xf32, #tpu.memory_space<hbm>> -> memref<128x128xf32, #tpu.memory_space<hbm>>
    %dma_wait3A_160 = arith.constant 0 : i32
    %dma_wait3A_161 = arith.constant 0 : i32
    %dma_wait3A_162 = tpu.memref_slice %arg6[%dma_wait3A_142, %dma_wait3A_160, %dma_wait3A_161] : memref<5x128x128xf32, #tpu.memory_space<vmem>> -> memref<1x128x128xf32, #tpu.memory_space<vmem>>
    %dma_wait3A_163 = tpu.memref_squeeze %dma_wait3A_162 : memref<1x128x128xf32, #tpu.memory_space<vmem>> -> memref<128x128xf32, #tpu.memory_space<vmem>>
    tpu.wait_dma2 semaphore(%arg8 : memref<!tpu.dma_semaphore, #tpu.memory_space<semaphore_mem>>) src(%dma_wait3A_163 : memref<128x128xf32, #tpu.memory_space<vmem>>) dst(%dma_wait3A_159 : memref<128x128xf32, #tpu.memory_space<hbm>>)
    return
  }
}

</mosaic_0001>

<sc_bundles>
// kernel: _emb.3.cloned.1.call-start
scs
__scs_entry_jumppad:
0x0: {  	(pc) =	sbr.rel $0x88, $3  }
0x1: {  	(tag) =	ssettag $0x0;
	lr =	simm.s32 $0x1  }
0x2: {  	[smem:$0x3F9F] =	sst lr;
	_ =	strace $0xD0000000  }
0x3: {  	_ = 	snop  }
0x4: {  	_ = 	snop  }
0x5: {  	_ = 	snop  }
0x6: {  	_ = 	snop  }
0x7: {  	_ = 	snop  }
__scs_overlays_trampoline_lowered:
0x8: {  	[smem:$0x3FAE] =	sst s0  }
0x9: {  	[smem:$0x3FAF] =	sst s1  }
0xa: {  	[smem:$0x3FB0] =	sst s2  }
0xb: {  	[smem:$0x3FB1] =	sst s3  }
0xc: {  	[smem:$0x3FB2] =	sst s4  }
0xd: {  	[smem:$0x3FB3] =	sst s5  }
0xe: {  	[smem:$0x3FB4] =	sst s6  }
0xf: {  	[smem:$0x3FB5] =	sst s7  }
0x10: {  	[smem:$0x3FB6] =	sst s8  }
0x11: {  	[smem:$0x3FB7] =	sst s9;
	s0 =	simm.s32 @!p0 $0x0  }
0x12: {  	s1 =	sld [smem:$0x3F9D];
	s0 =	simm.s32 @p0 $0x1  }
0x13: {  	[smem:$0x3FB8] =	sst s0;
	s0 =	simm.s32 @!p1 $0x0  }
0x14: {  	s2 =	sld [smem:$0x3F9C];
	s0 =	simm.s32 @p1 $0x1  }
0x15: {  	[smem:$0x3FB9] =	sst s0;
	s0 =	simm.s32 @!p2 $0x0  }
0x16: {  	s3 =	sld [smem:$0x3FDB];
	s0 =	simm.s32 @p2 $0x1  }
0x17: {  	s4 =	simm.s32 $0x1BF5;
	[smem:$0x3FBB] =	sst s0  }
0x18: {  	s0 =	sld [smem:$0x3F9E];
	_ =	swait.ge [sflag:s4], $0x0  }
0x19: {  	s7 =	sld [smem:$0x3F9F]  }
0x1a: {  	s8 =	sadd.s32 $0xFFFFE003, lr  }
0x1b: {  	s9 =	sadd.s32 $0xFFFFFEF7, lr;
	s5 =	simm.s32 $0xFFFFFFFF;
	p2 =	slt.u32 s8, $0xFFFFF086  }
0x1c: {  	p1 =	slt.u32 s9, $0xF7A;
	s5 =	simm.s32 @!p2 $0x0  }
0x1d: {  	s5 =	simm.s32 @p1 $0x1;
	p0 =	seq.s32 s7, s2  }
0x1e: {  	s7 =	smul.u32 @!p0 $0xF7A, s2;
	p2 =	seq.s32 @!p0 s5, $0x0  }
0x1f: {  	s9 =	smul.u32 $0xF7A, s1;
	s8 =	simm.s32 @!p0 $0x1BF5;
	p2 =	por !p2, p0  }
0x20: {  	[sflag:s8] =	ssyncset.s32 @!p0 $0xFFFFF086;
	s6 =	sadd.s32 @!p0 s3, s7;
	s7 =	simm.s32 @!p0 $0x108  }
0x21: {  	s3 =	sadd.s32 s3, s9;
	s6 =	sadd.s32 @!p0 $0x88, s6;
	s7 =	simm.s32 @p2 $0x1082  }
0x22: {  	[simem:s7], [sflag:s8] =	dma.local @!p0 [hbm:s6], $0xF7A  }
0x23: {  	s9 =	sor.u32 $0xD0000000, s2;
	s6 =	simm.s32 $0x108;
	_ =	swait.ge @!p0 [sflag:s8], $0x0  }
0x24: {  	s3 =	sadd.s32 $0x88, s3;
	s6 =	simm.s32 @!p1 $0x1082;
	[sflag:s4] =	ssyncset.s32 $0xFFFFF086  }
0x25: {  	[simem:s6], [sflag:s4] =	dma.local [hbm:s3], $0xF7A  }
0x26: {  	[smem:$0x3F9F] =	sst s1;
	(tag) =	ssettag s2;
	_ =	strace s9  }
0x27: {  	s1 =	sld [smem:$0x3FAF]  }
0x28: {  	s2 =	sld [smem:$0x3FB0]  }
0x29: {  	s4 =	sld [smem:$0x3FB2]  }
0x2a: {  	p0 =	seq.s32 s5, $0x0;
	s5 =	sld [smem:$0x3FB3]  }
0x2b: {  	s6 =	sld [smem:$0x3FB4]  }
0x2c: {  	s7 =	sld [smem:$0x3FB5]  }
0x2d: {  	s3 =	simm.s32 $0x108;
	s8 =	sld [smem:$0x3FB6]  }
0x2e: {  	s3 =	simm.s32 @!p0 $0x1082;
	s9 =	sld [smem:$0x3FB7]  }
0x2f: {  	lr =	sadd.s32 s0, s3;
	s0 =	sld [smem:$0x3FAE]  }
0x30: {  	s3 =	sld [smem:$0x3FB1]  }
0x31: {  	[smem:$0x3FBA] =	sst s10  }
0x32: {  	s10 =	sld [smem:$0x3FB8];
	_ =	sdelay $0x3  }
0x33: {  	p0 =	seq.s32 s10, $0x1;
	s10 =	sld [smem:$0x3FBA];
	_ =	sdelay $0x3  }
0x34: {  	[smem:$0x3FBA] =	sst s10  }
0x35: {  	s10 =	sld [smem:$0x3FB9];
	_ =	sdelay $0x3  }
0x36: {  	p1 =	seq.s32 s10, $0x1;
	s10 =	sld [smem:$0x3FBA];
	_ =	sdelay $0x3  }
0x37: {  	[smem:$0x3FBA] =	sst s10  }
0x38: {  	s10 =	sld [smem:$0x3FBB]  }
0x39: {  	_ = 	snop;
	(pc) =	sbr.ind lr, $3  }
0x3a: {  	_ = 	snop  }
0x3b: {  	_ = 	snop  }
0x3c: {  	p2 =	seq.s32 s10, $0x1;
	s10 =	sld [smem:$0x3FBA]  }
0x3d: {  	_ =	shalt  }
0x3e: {  	_ =	shalt  }
0x3f: {  	_ =	shalt  }
0x40: {  	_ =	shalt  }
0x41: {  	_ =	shalt  }
0x42: {  	_ =	shalt  }
0x43: {  	_ =	shalt  }
0x44: {  	_ =	shalt  }
0x45: {  	_ =	shalt  }
0x46: {  	_ =	shalt  }
0x47: {  	_ =	shalt  }
0x48: {  	_ =	shalt  }
0x49: {  	_ =	shalt  }
0x4a: {  	_ =	shalt  }
0x4b: {  	_ =	shalt  }
0x4c: {  	_ =	shalt  }
0x4d: {  	_ =	shalt  }
0x4e: {  	_ =	shalt  }
0x4f: {  	_ =	shalt  }
0x50: {  	_ =	shalt  }
0x51: {  	_ =	shalt  }
0x52: {  	_ =	shalt  }
0x53: {  	_ =	shalt  }
0x54: {  	_ =	shalt  }
0x55: {  	_ =	shalt  }
0x56: {  	_ =	shalt  }
0x57: {  	_ =	shalt  }
0x58: {  	_ =	shalt  }
0x59: {  	_ =	shalt  }
0x5a: {  	_ =	shalt  }
0x5b: {  	_ =	shalt  }
0x5c: {  	_ =	shalt  }
0x5d: {  	_ =	shalt  }
0x5e: {  	_ =	shalt  }
0x5f: {  	_ =	shalt  }
0x60: {  	_ =	shalt  }
0x61: {  	_ =	shalt  }
0x62: {  	_ =	shalt  }
0x63: {  	_ =	shalt  }
0x64: {  	_ =	shalt  }
0x65: {  	_ =	shalt  }
0x66: {  	_ =	shalt  }
0x67: {  	_ =	shalt  }
0x68: {  	_ =	shalt  }
0x69: {  	_ =	shalt  }
0x6a: {  	_ =	shalt  }
0x6b: {  	_ =	shalt  }
0x6c: {  	_ =	shalt  }
0x6d: {  	_ =	shalt  }
0x6e: {  	_ =	shalt  }
0x6f: {  	_ =	shalt  }
0x70: {  	_ =	shalt  }
0x71: {  	_ =	shalt  }
0x72: {  	_ =	shalt  }
0x73: {  	_ =	shalt  }
0x74: {  	_ =	shalt  }
0x75: {  	_ =	shalt  }
0x76: {  	_ =	shalt  }
0x77: {  	_ =	shalt  }
0x78: {  	_ =	shalt  }
0x79: {  	_ =	shalt  }
0x7a: {  	_ =	shalt  }
0x7b: {  	_ =	shalt  }
0x7c: {  	_ =	shalt  }
0x7d: {  	_ =	shalt  }
0x7e: {  	_ =	shalt  }
0x7f: {  	_ =	shalt  }
0x80: {  	_ =	shalt  }
0x81: {  	_ =	shalt  }
0x82: {  	_ =	shalt  }
0x83: {  	_ =	shalt  }
0x84: {  	_ =	shalt  }
0x85: {  	_ =	shalt  }
0x86: {  	_ =	shalt  }
0x87: {  	_ =	shalt  }
.Lfunc_end0:
.L_simem_size_0:
called_computation_lowered:
.L_overlay_start_0:
0x88: {  	s2 =	sld [smem:$0x3FD9]  }
0x89: {  	s3 =	sld [smem:$0x3FFE];
	_ =	sdelay $0x1  }
0x8a: {  	s1 =	srdreg.scid  }
0x8b: {  	s0 =	sand.u32 $0x1, s1  }
0x8c: {  	s17 =	sshll.u32 s0, $0xA;
	s2 =	sadd.s32 s3, s2  }
0x8d: {  	s2 =	sadd.s32 s2, s17  }
0x8e: {  	[smem:$0x3FC6] =	sst s2  }
0x8f: {  	_ = 	snop  }
0x90: {  	s2 =	sld [smem:$0x3FC8]  }
0x91: {  	s18 =	sld [smem:$0x3FD0];
	(tm) =	ssettm $0x1  }
0x92: {  	s4 =	sld [smem:$0x3FFB];
	_ =	sdelay $0x3  }
0x93: {  	_ =	strace s4  }
0x94: {  	s4 =	sld [smem:$0x3FFC];
	_ =	sdelay $0x3  }
0x95: {  	_ =	strace s4  }
0x96: {  	s4 =	sld [smem:$0x3FFD];
	_ =	sdelay $0x3  }
0x97: {  	_ =	strace s4  }
0x98: {  	_ =	strace $0x8FFFFFFF  }
0x99: {  	s19 =	sld [smem:$0x3FDB];
	_ =	sdelay $0x1  }
0x9a: {  	s5 =	simm.s32 $_scs_section_size  }
0x9b: {  	s6 =	simm.s32 $_size__tile_overlayer_lowered;
	s7 =	simm.s32 $_tile_overlayer_lowered  }
0x9c: {  	s22 =	simm.s32 $0x1BFF;
	s21 =	sshll.u32 s7, $0x1;
	s4 =	sadd.s32 s5, s19  }
0x9d: {  	s8 =	simm.s32 $0x0;
	s20 =	sshll.u32 s6, $0x1;
	s6 =	sadd.s32 s21, s4  }
0x9e: {  	[timem:s8], [sflag:s22] =	dma.local [hbm:s6], s20  }
0x9f: {  	_ =	swait.ge [sflag:s22], s20  }
0xa0: {  	s5 =	ssub.s32 $0x0, s20;
	[sflag:s22] =	ssyncset.done $0x0  }
0xa1: {  	[sflag:s22] =	ssyncadd.s32 s5;
	_ =	sdelay $0x1  }
0xa2: {  	s23 =	simm.s32 $0x1B8B  }
0xa3: {  	_ =	swait.ge [sflag:s23], $0x1  }
0xa4: {  	[sflag:s23] =	ssyncset.done $0x0  }
0xa5: {  	s25 =	simm.s32 $0x1B8E;
	s24 =	sld [smem:$0x3FFE];
	[sflag:s23] =	ssyncadd.s32 $0xFFFFFFFF  }
0xa6: {  	s26 =	simm.s32 $execute0_lowered;
	[smem:$0x3FD2] =	sst s25  }
0xa7: {  	s6 =	sshll.u32 s26, $0x1;
	_ =	strace $0x80000046;
	[dreg:$0x1] =	wrdreg $0xFFFFFFFF  }
0xa8: {  	s28 =	simm.s32 $_size_execute0_lowered;
	s4 =	sadd.s32 s4, s6;
	[dreg:$0x0] =	wrdreg $0x0  }
0xa9: {  	s6 =	sshll.u32 s28, $0x1;
	[dreg:$0x2] =	wrdreg s4  }
0xaa: {  	[dreg:$0x3] =	wrdreg s6  }
0xab: {  	[dreg:$0x4] =	wrdreg $0xC0  }
0xac: {  	_ =	task [dreg:s8], $0x5FFFF  }
0xad: {  	[dreg:$0x1] =	wrdreg $0xFFFFFFFF  }
0xae: {  	[dreg:$0x0] =	wrdreg $0x60  }
0xaf: {  	[dreg:$0x2] =	wrdreg s24  }
0xb0: {  	[dreg:$0x3] =	wrdreg s2  }
0xb1: {  	[dreg:$0x4] =	wrdreg s18  }
0xb2: {  	[dreg:$0x5] =	wrdreg $0x9  }
0xb3: {  	_ =	task.clear_ibuf [dreg:s8], $0x6FFFF;
	_ =	strace $0x90000046  }
0xb4: {  	s29 =	simm.s32 $0x9;
	_ =	strace $0x80000048  }
0xb5: {  	_ =	swait.ge [sflag:s29], $0x1  }
0xb6: {  	[sflag:s29] =	ssyncadd.s32 $0xFFFFFFFF  }
0xb7: {  	_ =	strace $0x90000048  }
0xb8: {  	_ =	sfence  }
0xb9: {  	s30 =	sld [smem:$0x0];
	_ =	sdelay $0x2  }
0xba: {  	s31 =	sshll.u32 s1, $0xD;
	s1 =	sshrl.u32 s1, $0x2  }
0xbb: {  	s3 =	sand.u32 $0x4000, s31;
	s1 =	sadd.s32 s1, s30  }
0xbc: {  	s0 =	sor.u32 s3, s0;
	s1 =	sshll.u32 s1, $0x11  }
0xbd: {  	s0 =	sor.u32 s1, s0  }
0xbe: {  	s0 =	sadd.s32 $0x8F2B, s0  }
0xbf: {  	[sflag:s0] =	ssyncadd.remote.s32 $0x1  }
0xc0: {  	_ =	sfence.sel $0xFFFF  }
0xc1: {  	[dreg:$0x0] =	wrdreg $0xFFFFFFFF;
	(pc) =	sbr.abs _section_cstart, $3  }
0xc2: {  	[dreg:$0x1] =	wrdreg $0xFFFFFFFF  }
0xc3: {  	_ =	task.clear_ibuf [dreg:s8], $0x2FFFF;
	_ =	strace $0x9FFFFFFF  }
0xc4: {  	(tm) =	ssettm $0x7FFFFFFF  }
0xc5: {  	_ =	shalt  }
tec
execute0_lowered:
.L_overlay_start_1:
0x0: {  	(tag) =	ssettag $0x1  }
0x1: {  	s5 =	rddreg [dreg:$0x0]  }
0x2: {  	s2 =	rddreg [dreg:$0x1];
	s1 =	srdreg.scid  }
0x3: {  	s0 =	stileid.u32;
	s3 =	rddreg [dreg:$0x2]  }
0x4: {  	s4 =	simm.s32 $0x0;
	s10 =	simm.s32 $0x5C00;
	s11 =	simm.s32 $0x100  }
0x5: {  	s12 =	simm.s32 $0x9C00;
	s13 =	simm.s32 $0x180;
	s14 =	simm.s32 $0xDC00  }
0x6: {  	s15 =	simm.s32 $0x11C00;
	s16 =	simm.s32 $0x1;
	s17 =	simm.s32 $0x2  }
0x7: {  	s18 =	simm.s32 $0x0;
	s6 =	sand.u32 $0x1, s1;
	s7 =	sshll.u32 s0, $0x1  }
0x8: {  	[smem:$0x7FF] =	sst s4;
	s7 =	sor.u32 s6, s7;
	s6 =	ssub.s32 $0x2, s6  }
0x9: {  	s8 =	smul.u32 $0x380, s7;
	s9 =	sshrl.u32 s6, $0x1;
	s7 =	sshll.u32 s7, $0xB  }
0xa: {  	_ =	strace $0x80000047;
	s6 =	ssub.s32 s6, s9;
	[dreg:$0x4] =	wrdreg s7  }
0xb: {  	s7 =	simm.s32 $0x3;
	s9 =	simm.s32 $0x1C00;
	s5 =	sadd.s32 s8, s5  }
0xc: {  	s6 =	smax.u32 s6, $0x1;
	s8 =	simm.s32 $0x80;
	s5 =	sadd.s32 $0x400, s5  }
.LBB2_1:
0xd: {  	[tilespmem:s4], [sflag:$0x3] =	stream.linear.gather [hbm4b:s5+s4], $0x1900, $0x38;
	[tilespmem:$0x15C00] =	vst v63  }
0xe: {  	_ =	swait.ge [sflag:s7], $0x1900  }
0xf: {  	[sflag:s7] =	ssyncset.done $0x0  }
0x10: {  	[sflag:s7] =	ssyncadd.s32 $0xFFFFE700  }
0x11: {  	[tilespmem:s9], [sflag:$0x1] =	stream.indirect.gather [hbm4b:s2+s8], $0x80, s4, s8, $0xb8;
	[tilespmem:$0x15C00] =	vst v63  }
0x12: {  	_ = 	snop  }
0x13: {  	[tilespmem:s10], [sflag:$0x1] =	stream.indirect.gather [hbm4b:s2+s8], $0x80, s8, s8, $0xb8;
	[tilespmem:$0x15C00] =	vst v63  }
0x14: {  	p0 =	por $0x1, $0x1  }
0x15: {  	[tilespmem:s12], [sflag:$0x1] =	stream.indirect.gather [hbm4b:s2+s8], $0x80, s11, s8, $0xb8;
	[tilespmem:$0x15C00] =	vst v63  }
0x16: {  	s19 =	simm.s32 @!p0 $0x2  }
0x17: {  	[tilespmem:s14], [sflag:$0x1] =	stream.indirect.gather [hbm4b:s2+s8], $0x80, s13, s8, $0xb8;
	[tilespmem:$0x15C00] =	vst v63  }
0x18: {  	_ =	swait.ge @!p0 [sflag:s19], $0x4000  }
0x19: {  	[sflag:s19] =	ssyncset.done @!p0 $0x0  }
0x1a: {  	s20 =	simm.s32 $0x200;
	[sflag:s19] =	ssyncadd.s32 @!p0 $0xFFFFC000  }
0x1b: {  	[tilespmem:s15], [sflag:$0x1] =	stream.indirect.gather [hbm4b:s2+s8], $0x80, s20, s8, $0xb8;
	[tilespmem:$0x15C00] =	vst v63  }
0x1c: {  	_ =	swait.ge [sflag:s16], $0x4000  }
0x1d: {  	p0 =	por $0x0, $0x0;
	s28 =	rddreg [dreg:$0x4];
	[sflag:s16] =	ssyncset.done $0x0  }
0x1e: {  	s21 =	simm.s32 @!p0 $0x2;
	[sflag:s16] =	ssyncadd.s32 $0xFFFFC000;
	s19 =	sadd.s32 s28, s3  }
0x1f: {  	[hbm4b:s19+s4] =	stream.linear.scatter [tilespmem:s9], [sflag:$0x2], $0x4000, $0x38;
	[tilespmem:$0x15C00] =	vst v63  }
0x20: {  	_ =	swait.ge @!p0 [sflag:s21], $0x4000  }
0x21: {  	s20 =	simm.s32 @!p0 $0x280;
	[sflag:s21] =	ssyncset.done @!p0 $0x0  }
0x22: {  	s22 =	simm.s32 @!p0 $0x80;
	s23 =	simm.s32 @!p0 $0x1C00;
	[sflag:s21] =	ssyncadd.s32 @!p0 $0xFFFFC000  }
0x23: {  	[tilespmem:s23], [sflag:$0x1] =	stream.indirect.gather @!p0 [hbm4b:s2+s22], $0x80, s20, s22, $0xb8;
	[tilespmem:$0x15C00] =	vst v63  }
0x24: {  	_ =	swait.ge [sflag:s16], $0x4000  }
0x25: {  	[sflag:s16] =	ssyncset.done $0x0  }
0x26: {  	s29 =	sadd.s32 $0x10000, s19;
	[sflag:s16] =	ssyncadd.s32 $0xFFFFC000  }
0x27: {  	[hbm4b:s29+s4] =	stream.linear.scatter [tilespmem:s10], [sflag:$0x2], $0x4000, $0x38;
	[tilespmem:$0x15C00] =	vst v63  }
0x28: {  	_ =	swait.ge @!p0 [sflag:s21], $0x4000  }
0x29: {  	[sflag:s21] =	ssyncset.done @!p0 $0x0  }
0x2a: {  	s20 =	simm.s32 @!p0 $0x300;
	s23 =	simm.s32 @!p0 $0x5C00;
	[sflag:s21] =	ssyncadd.s32 @!p0 $0xFFFFC000  }
0x2b: {  	[tilespmem:s23], [sflag:$0x1] =	stream.indirect.gather @!p0 [hbm4b:s2+s22], $0x80, s20, s22, $0xb8;
	[tilespmem:$0x15C00] =	vst v63  }
0x2c: {  	_ =	swait.ge [sflag:s16], $0x4000  }
0x2d: {  	[sflag:s16] =	ssyncset.done $0x0  }
0x2e: {  	s30 =	sadd.s32 $0x20000, s19;
	[sflag:s16] =	ssyncadd.s32 $0xFFFFC000  }
0x2f: {  	[hbm4b:s30+s4] =	stream.linear.scatter [tilespmem:s12], [sflag:$0x2], $0x4000, $0x38;
	[tilespmem:$0x15C00] =	vst v63  }
0x30: {  	_ =	swait.ge @!p0 [sflag:s21], $0x4000  }
0x31: {  	[sflag:s21] =	ssyncset.done @!p0 $0x0  }
0x32: {  	s20 =	simm.s32 @!p0 $0x380;
	s23 =	simm.s32 @!p0 $0x9C00;
	[sflag:s21] =	ssyncadd.s32 @!p0 $0xFFFFC000  }
0x33: {  	[tilespmem:s23], [sflag:$0x1] =	stream.indirect.gather @!p0 [hbm4b:s2+s22], $0x80, s20, s22, $0xb8;
	[tilespmem:$0x15C00] =	vst v63  }
0x34: {  	_ =	swait.ge [sflag:s16], $0x4000  }
0x35: {  	[sflag:s16] =	ssyncset.done $0x0  }
0x36: {  	s31 =	sadd.s32 $0x30000, s19;
	[sflag:s16] =	ssyncadd.s32 $0xFFFFC000  }
0x37: {  	[hbm4b:s31+s4] =	stream.linear.scatter [tilespmem:s14], [sflag:$0x2], $0x4000, $0x38;
	[tilespmem:$0x15C00] =	vst v63  }
0x38: {  	_ =	swait.ge @!p0 [sflag:s21], $0x4000  }
0x39: {  	p1 =	por $0x0, $0x0;
	[sflag:s21] =	ssyncset.done @!p0 $0x0  }
0x3a: {  	s24 =	simm.s32 @!p0 $0xDC00;
	s23 =	simm.s32 @!p0 $0x400;
	[sflag:s21] =	ssyncadd.s32 @!p0 $0xFFFFC000  }
0x3b: {  	[tilespmem:s24], [sflag:$0x1] =	stream.indirect.gather @!p0 [hbm4b:s2+s22], $0x80, s23, s22, $0xb8;
	[tilespmem:$0x15C00] =	vst v63  }
0x3c: {  	s20 =	simm.s32 $0xA00;
	s21 =	simm.s32 $0x1400;
	s23 =	sadd.s32 $0x40000, s19  }
0x3d: {  	s22 =	simm.s32 $0x4;
	s19 =	sadd.s32 $0x50000, s3;
	_ =	swait.ge [sflag:s16], $0x4000  }
.LBB2_2:
0x3e: {  	[sflag:s16] =	ssyncset.done $0x0  }
0x3f: {  	s24 =	simm.s32 @!p1 $0x2;
	[sflag:s16] =	ssyncadd.s32 $0xFFFFC000  }
0x40: {  	[hbm4b:s23+s4] =	stream.linear.scatter [tilespmem:s15], [sflag:$0x2], $0x4000, $0x38;
	[tilespmem:$0x15C00] =	vst v63  }
0x41: {  	_ =	swait.ge @!p1 [sflag:s24], $0x4000  }
0x42: {  	s28 =	sshra.s32 s20, $0x2;
	[sflag:s24] =	ssyncset.done @!p1 $0x0  }
0x43: {  	s23 =	sadd.s32 $0x200, s28;
	[sflag:s24] =	ssyncadd.s32 @!p1 $0xFFFFC000  }
0x44: {  	[tilespmem:s15], [sflag:$0x1] =	stream.indirect.gather [hbm4b:s2+s8], $0x80, s23, s8, $0xb8;
	[tilespmem:$0x15C00] =	vst v63  }
0x45: {  	_ =	swait.ge [sflag:s16], $0x4000  }
0x46: {  	p1 =	seq.s32 s20, $0x5A00;
	s29 =	rddreg [dreg:$0x4];
	[sflag:s16] =	ssyncset.done $0x0  }
0x47: {  	s24 =	simm.s32 @!p1 $0x2;
	[sflag:s16] =	ssyncadd.s32 $0xFFFFC000;
	s28 =	sadd.s32 s29, s19  }
0x48: {  	[hbm4b:s28+s4] =	stream.linear.scatter [tilespmem:s9], [sflag:$0x2], $0x4000, $0x38;
	[tilespmem:$0x15C00] =	vst v63  }
0x49: {  	_ =	swait.ge @!p1 [sflag:s24], $0x4000  }
0x4a: {  	s20 =	sshra.s32 @!p1 s20, $0x2;
	s25 =	simm.s32 @!p1 $0x80;
	[sflag:s24] =	ssyncset.done @!p1 $0x0  }
0x4b: {  	s30 =	simm.s32 @!p1 $0x1C00;
	s23 =	sadd.s32 @!p1 $0x280, s20;
	[sflag:s24] =	ssyncadd.s32 @!p1 $0xFFFFC000  }
0x4c: {  	[tilespmem:s30], [sflag:$0x1] =	stream.indirect.gather @!p1 [hbm4b:s2+s25], $0x80, s23, s25, $0xb8;
	[tilespmem:$0x15C00] =	vst v63  }
0x4d: {  	_ =	swait.ge [sflag:s16], $0x4000  }
0x4e: {  	[sflag:s16] =	ssyncset.done $0x0  }
0x4f: {  	s30 =	sadd.s32 $0x10000, s28;
	[sflag:s16] =	ssyncadd.s32 $0xFFFFC000  }
0x50: {  	[hbm4b:s30+s4] =	stream.linear.scatter [tilespmem:s10], [sflag:$0x2], $0x4000, $0x38;
	[tilespmem:$0x15C00] =	vst v63  }
0x51: {  	s26 =	smov.u32 s21;
	s31 =	sadd.s32 @!p1 $0x380, s20;
	_ =	swait.ge @!p1 [sflag:s24], $0x4000  }
0x52: {  	s1 =	sadd.s32 @!p1 $0x400, s20;
	s29 =	sadd.s32 @!p1 $0x300, s20;
	[sflag:s24] =	ssyncset.done @!p1 $0x0  }
0x53: {  	s20 =	smov.u32 s26;
	s26 =	simm.s32 @!p1 $0x5C00;
	[sflag:s24] =	ssyncadd.s32 @!p1 $0xFFFFC000  }
0x54: {  	[tilespmem:s26], [sflag:$0x1] =	stream.indirect.gather @!p1 [hbm4b:s2+s25], $0x80, s29, s25, $0xb8;
	[tilespmem:$0x15C00] =	vst v63  }
0x55: {  	_ =	swait.ge [sflag:s16], $0x4000  }
0x56: {  	[sflag:s16] =	ssyncset.done $0x0  }
0x57: {  	s30 =	sadd.s32 $0x20000, s28;
	[sflag:s16] =	ssyncadd.s32 $0xFFFFC000  }
0x58: {  	[hbm4b:s30+s4] =	stream.linear.scatter [tilespmem:s12], [sflag:$0x2], $0x4000, $0x38;
	[tilespmem:$0x15C00] =	vst v63  }
0x59: {  	_ =	swait.ge @!p1 [sflag:s24], $0x4000  }
0x5a: {  	[sflag:s24] =	ssyncset.done @!p1 $0x0  }
0x5b: {  	s26 =	simm.s32 @!p1 $0x9C00;
	[sflag:s24] =	ssyncadd.s32 @!p1 $0xFFFFC000  }
0x5c: {  	[tilespmem:s26], [sflag:$0x1] =	stream.indirect.gather @!p1 [hbm4b:s2+s25], $0x80, s31, s25, $0xb8;
	[tilespmem:$0x15C00] =	vst v63  }
0x5d: {  	_ =	swait.ge [sflag:s16], $0x4000  }
0x5e: {  	s21 =	sadd.s32 $0xA00, s21;
	[sflag:s16] =	ssyncset.done $0x0  }
0x5f: {  	p0 =	sne.s32 s21, $0x6400;
	s31 =	sadd.s32 $0x30000, s28;
	[sflag:s16] =	ssyncadd.s32 $0xFFFFC000  }
0x60: {  	[hbm4b:s31+s4] =	stream.linear.scatter [tilespmem:s14], [sflag:$0x2], $0x4000, $0x38;
	[tilespmem:$0x15C00] =	vst v63  }
.Ltmp0:
0x61: {  	_ =	swait.ge @!p1 [sflag:s24], $0x4000;
	(pc) =	sbr.rel @p0 .LBB2_2-.Ltmp0, $4  }
0x62: {  	s22 =	sadd.s32 $0x5, s22;
	[sflag:s24] =	ssyncset.done @!p1 $0x0  }
0x63: {  	s19 =	sadd.s32 $0x50000, s19;
	s26 =	simm.s32 @!p1 $0xDC00;
	[sflag:s24] =	ssyncadd.s32 @!p1 $0xFFFFC000  }
0x64: {  	[tilespmem:s26], [sflag:$0x1] =	stream.indirect.gather @!p1 [hbm4b:s2+s25], $0x80, s1, s25, $0xb8;
	[tilespmem:$0x15C00] =	vst v63  }
0x65: {  	s23 =	sadd.s32 $0x40000, s28;
	p1 =	sgt.u32 s22, $0x2C;
	_ =	swait.ge [sflag:s16], $0x4000  }
0x66: {  	[sflag:s16] =	ssyncset.done $0x0  }
0x67: {  	s1 =	simm.s32 @!p1 $0x2;
	[sflag:s16] =	ssyncadd.s32 $0xFFFFC000  }
0x68: {  	[hbm4b:s23+s4] =	stream.linear.scatter [tilespmem:s15], [sflag:$0x2], $0x4000, $0x38;
	[tilespmem:$0x15C00] =	vst v63  }
0x69: {  	_ =	swait.ge @!p1 [sflag:s1], $0x4000  }
0x6a: {  	s21 =	sshra.s32 s20, $0x2;
	[sflag:s1] =	ssyncset.done @!p1 $0x0  }
0x6b: {  	s21 =	sadd.s32 $0x200, s21;
	[sflag:s1] =	ssyncadd.s32 @!p1 $0xFFFFC000  }
0x6c: {  	[tilespmem:s15], [sflag:$0x1] =	stream.indirect.gather [hbm4b:s2+s8], $0x80, s21, s8, $0xb8;
	[tilespmem:$0x15C00] =	vst v63  }
0x6d: {  	_ =	swait.ge [sflag:s16], $0x4000  }
0x6e: {  	p0 =	seq.s32 s20, $0x5A00;
	s28 =	rddreg [dreg:$0x4];
	[sflag:s16] =	ssyncset.done $0x0  }
0x6f: {  	[sflag:s16] =	ssyncadd.s32 $0xFFFFC000;
	s1 =	sadd.s32 s28, s19;
	s19 =	simm.s32 @!p0 $0x2  }
0x70: {  	[hbm4b:s1+s4] =	stream.linear.scatter [tilespmem:s9], [sflag:$0x2], $0x4000, $0x38;
	[tilespmem:$0x15C00] =	vst v63  }
0x71: {  	_ =	swait.ge @!p0 [sflag:s19], $0x4000  }
0x72: {  	s20 =	sshra.s32 @!p0 s20, $0x2;
	s22 =	simm.s32 @!p0 $0x80;
	[sflag:s19] =	ssyncset.done @!p0 $0x0  }
0x73: {  	s23 =	simm.s32 @!p0 $0x1C00;
	s21 =	sadd.s32 @!p0 $0x280, s20;
	[sflag:s19] =	ssyncadd.s32 @!p0 $0xFFFFC000  }
0x74: {  	[tilespmem:s23], [sflag:$0x1] =	stream.indirect.gather @!p0 [hbm4b:s2+s22], $0x80, s21, s22, $0xb8;
	[tilespmem:$0x15C00] =	vst v63  }
0x75: {  	_ =	swait.ge [sflag:s16], $0x4000  }
0x76: {  	[sflag:s16] =	ssyncset.done $0x0  }
0x77: {  	s29 =	sadd.s32 $0x10000, s1;
	[sflag:s16] =	ssyncadd.s32 $0xFFFFC000  }
0x78: {  	[hbm4b:s29+s4] =	stream.linear.scatter [tilespmem:s10], [sflag:$0x2], $0x4000, $0x38;
	[tilespmem:$0x15C00] =	vst v63  }
0x79: {  	_ =	swait.ge @!p0 [sflag:s19], $0x4000  }
0x7a: {  	[sflag:s19] =	ssyncset.done @!p0 $0x0  }
0x7b: {  	s21 =	sadd.s32 @!p0 $0x300, s20;
	s23 =	simm.s32 @!p0 $0x5C00;
	[sflag:s19] =	ssyncadd.s32 @!p0 $0xFFFFC000  }
0x7c: {  	[tilespmem:s23], [sflag:$0x1] =	stream.indirect.gather @!p0 [hbm4b:s2+s22], $0x80, s21, s22, $0xb8;
	[tilespmem:$0x15C00] =	vst v63  }
0x7d: {  	_ =	swait.ge [sflag:s16], $0x4000  }
0x7e: {  	[sflag:s16] =	ssyncset.done $0x0  }
0x7f: {  	s30 =	sadd.s32 $0x20000, s1;
	[sflag:s16] =	ssyncadd.s32 $0xFFFFC000  }
0x80: {  	[hbm4b:s30+s4] =	stream.linear.scatter [tilespmem:s12], [sflag:$0x2], $0x4000, $0x38;
	[tilespmem:$0x15C00] =	vst v63  }
0x81: {  	_ =	swait.ge @!p0 [sflag:s19], $0x4000  }
0x82: {  	[sflag:s19] =	ssyncset.done @!p0 $0x0  }
0x83: {  	s21 =	sadd.s32 @!p0 $0x380, s20;
	s23 =	simm.s32 @!p0 $0x9C00;
	[sflag:s19] =	ssyncadd.s32 @!p0 $0xFFFFC000  }
0x84: {  	[tilespmem:s23], [sflag:$0x1] =	stream.indirect.gather @!p0 [hbm4b:s2+s22], $0x80, s21, s22, $0xb8;
	[tilespmem:$0x15C00] =	vst v63  }
0x85: {  	_ =	swait.ge [sflag:s16], $0x4000  }
0x86: {  	[sflag:s16] =	ssyncset.done $0x0  }
0x87: {  	s31 =	sadd.s32 $0x30000, s1;
	[sflag:s16] =	ssyncadd.s32 $0xFFFFC000  }
0x88: {  	[hbm4b:s31+s4] =	stream.linear.scatter [tilespmem:s14], [sflag:$0x2], $0x4000, $0x38;
	[tilespmem:$0x15C00] =	vst v63  }
0x89: {  	_ =	swait.ge @!p0 [sflag:s19], $0x4000  }
0x8a: {  	[sflag:s19] =	ssyncset.done @!p0 $0x0  }
0x8b: {  	s20 =	sadd.s32 @!p0 $0x400, s20;
	s21 =	simm.s32 @!p0 $0xDC00;
	[sflag:s19] =	ssyncadd.s32 @!p0 $0xFFFFC000  }
0x8c: {  	[tilespmem:s21], [sflag:$0x1] =	stream.indirect.gather @!p0 [hbm4b:s2+s22], $0x80, s20, s22, $0xb8;
	[tilespmem:$0x15C00] =	vst v63  }
0x8d: {  	_ =	swait.ge [sflag:s16], $0x4000  }
0x8e: {  	[sflag:s16] =	ssyncset.done $0x0  }
0x8f: {  	s1 =	sadd.s32 $0x40000, s1;
	[sflag:s16] =	ssyncadd.s32 $0xFFFFC000  }
0x90: {  	[hbm4b:s1+s4] =	stream.linear.scatter [tilespmem:s15], [sflag:$0x2], $0x4000, $0x38;
	[tilespmem:$0x15C00] =	vst v63  }
0x91: {  	_ =	swait.ge [sflag:s17], $0x4000  }
0x92: {  	[sflag:s17] =	ssyncset.done $0x0  }
0x93: {  	[sflag:s17] =	ssyncadd.s32 $0xFFFFC000  }
0x94: {  	_ =	swait.ge [sflag:s17], $0x4000  }
0x95: {  	[sflag:s17] =	ssyncset.done $0x0  }
0x96: {  	[sflag:s17] =	ssyncadd.s32 $0xFFFFC000  }
0x97: {  	_ =	swait.ge [sflag:s17], $0x4000  }
0x98: {  	[sflag:s17] =	ssyncset.done $0x0  }
0x99: {  	s18 =	sadd.s32 $0x1, s18;
	[sflag:s17] =	ssyncadd.s32 $0xFFFFC000  }
0x9a: {  	p0 =	sne.s32 s18, s6;
	_ =	swait.ge [sflag:s17], $0x4000  }
.Ltmp1:
0x9b: {  	[sflag:s17] =	ssyncset.done $0x0;
	(pc) =	sbr.rel @p0 .LBB2_1-.Ltmp1, $4  }
0x9c: {  	[sflag:s17] =	ssyncadd.s32 $0xFFFFC000  }
0x9d: {  	_ =	swait.ge [sflag:s17], $0x4000  }
0x9e: {  	[sflag:s17] =	ssyncset.done $0x0  }
0x9f: {  	[sflag:s17] =	ssyncadd.s32 $0xFFFFC000  }
0xa0: {  	_ =	sfence.sel $0x180000  }
0xa1: {  	[bflag:$0x0] =	sbarrier.arrive $0xFFFF  }
0xa2: {  	_ =	strace $0x90000047  }
0xa3: {  	[bflag:$0x2] =	sbarrier.arrive $0xFFFF  }
0xa4: {  	p0 =	sne.s32 s0, $0x0;
	s0 =	rddreg [dreg:$0x3]  }
0xa5: {  	s0 =	sadd.s32 @!p0 $0x100000, s0  }
0xa6: {  	[sflag:s0] =	ssyncadd.tile.s32 @!p0 $0x1;
	_ =	shalt  }
.Lfunc_end2:
_tile_overlayer_lowered:
.L_overlay_start_2:
0xa7: {  	(tag) =	ssettag $0x2  }
0xa8: {  	s0 =	rddreg [dreg:$0x0];
	s2 =	stileid.u32  }
0xa9: {  	s1 =	rddreg [dreg:$0x1];
	p0 =	sne.s32 s2, $0x0  }
0xaa: {  	s3 =	rddreg [dreg:$0x2];
	[bflag:$0x3] =	sbarrier.arrive $0xFFFF;
	s2 =	simm.s32 @!p0 $0x1C03  }
0xab: {  	[timem:s3], [sflag:s2] =	dma.local @!p0 [hbm:s0], s1  }
0xac: {  	s0 =	simm.s32 @!p0 $0x3  }
0xad: {  	_ =	swait.ge @!p0 [sflag:s0], s1  }
0xae: {  	s1 =	ssub.s32 @!p0 $0x0, s1;
	[sflag:s0] =	ssyncset.done @!p0 $0x0  }
0xaf: {  	[sflag:s0] =	ssyncadd.s32 @!p0 s1  }
0xb0: {  	[bflag:$0x3] =	sbarrier.arrive $0xFFFF  }
0xb1: {  	_ =	shalt  }

</sc_bundles>
